<compile_context>
chip_gen: v7x
topology: tpu7x:2x2x1
jax: 0.10.2.dev20260603
libtpu: 0.0.44.dev20260713+nightly
codegen_flags: <defaults>
</compile_context>

<pallas_src>
import jax
import jax.numpy as jnp
from jax import lax
from jax.experimental import pallas as pl
from jax.experimental.pallas import tpu as pltpu
from jax.experimental.pallas import tpu_sc as plsc

B = 16384
F = 26
V = 100000
DC = 13

NC = 2
NS = 16
L = 16
NW = NC * NS
BPW = B // NW
NIDX = BPW * F
NCONT = BPW * DC
CHUNK = 512
NCHUNK = NIDX // CHUNK
VP = 100096


def _sc_body(tbl_ref, idx_ref, cont_ref, w_ref, out_ref,
             idx_v, vals_v, cont_v, w_v, acc_v, sem):
    wid = lax.axis_index("s") * NC + lax.axis_index("c")

    pltpu.sync_copy(idx_ref.at[pl.ds(wid * NIDX, NIDX)], idx_v)

    @pl.loop(0, NCHUNK)
    def fire(c):
        sl = pl.ds(c * CHUNK, CHUNK)
        pltpu.async_copy(tbl_ref.at[idx_v.at[sl]], vals_v.at[sl], sem)

    pltpu.sync_copy(cont_ref.at[pl.ds(wid * NCONT, NCONT)], cont_v)
    pltpu.sync_copy(w_ref, w_v)

    @pl.loop(0, NCHUNK)
    def drain(c):
        sl = pl.ds(c * CHUNK, CHUNK)
        pltpu.make_async_copy(tbl_ref.at[idx_v.at[sl]], vals_v.at[sl], sem).wait()

    w_cont = [w_v[pl.ds(L * c, L)] for c in range(DC)]
    w_emb = [w_v[pl.ds(L * (DC + f), L)] for f in range(F)]
    bias_v = w_v[pl.ds(L * (DC + F), L)]

    @pl.loop(0, BPW // L)
    def reduce_rows(j):
        acc = bias_v
        for c in range(DC):
            acc = acc + cont_v[pl.ds(c * BPW + j * L, L)] * w_cont[c]
        for f in range(F):
            acc = acc + vals_v[pl.ds(f * BPW + j * L, L)] * w_emb[f]
        acc_v[pl.ds(j * L, L)] = acc

    pltpu.sync_copy(acc_v, out_ref.at[pl.ds(wid * BPW, BPW)])


@jax.jit
def _run(tbl_flat, idx_bl, cont_bl, w_bc):
    mesh = plsc.VectorSubcoreMesh(core_axis_name="c", subcore_axis_name="s",
                                  num_cores=NC, num_subcores=NS)
    return pl.kernel(
        _sc_body,
        out_type=jax.ShapeDtypeStruct((B,), jnp.float32),
        mesh=mesh,
        compiler_params=pltpu.CompilerParams(needs_layout_passes=False,
                                             use_tc_tiling_on_sc=False),
        scratch_types=[
            pltpu.VMEM((NIDX,), jnp.int32),
            pltpu.VMEM((NIDX,), jnp.float32),
            pltpu.VMEM((NCONT,), jnp.float32),
            pltpu.VMEM(((DC + F + 1) * L, ), jnp.float32),
            pltpu.VMEM((BPW,), jnp.float32),
            pltpu.SemaphoreType.DMA,
        ],
    )(tbl_flat, idx_bl, cont_bl, w_bc)


def kernel(continuous, discrete, tables, W, b):
    tbl_flat = jnp.pad(tables.reshape(F, V), ((0, 0), (0, VP - V))).reshape(F * VP)
    idx = discrete.astype(jnp.int32) + jnp.arange(F, dtype=jnp.int32)[None, :] * VP
    idx_bl = idx.reshape(NW, BPW, F).transpose(0, 2, 1).reshape(NW * NIDX)
    cont_bl = continuous.reshape(NW, BPW, DC).transpose(0, 2, 1).reshape(NW * NCONT)
    w_row = jnp.concatenate([W.reshape(DC + F), b.reshape(1)])
    w_bc = jnp.repeat(w_row, L)
    out = _run(tbl_flat, idx_bl, cont_bl, w_bc)
    return out.reshape(B, 1)

# --- scband reference (transcript-rebuilt; emitter-appended) ---
"""Pipeline reference for scband-embedding-regression-20203526160936 (READ-ONLY COPY).

The authoritative reference and input builder live on the scoring server;
editing this copy changes nothing except your own understanding.
"""

import jax, jax.numpy as jnp
import numpy as np

B = 16384
F = 26
V = 100000
DC = 13

def setup_inputs(seed: int = 0) -> dict:
    key = jax.random.key(seed)
    k1, k2, k3, k4 = jax.random.split(key, 4)
    continuous = jax.random.normal(k1, (B, DC), dtype=jnp.float32)
    discrete = jax.random.randint(k2, (B, F), 0, V)
    # One embedding table per discrete field, embedding_dim=1 (as in the module).
    # Stacked as a single array [F, V, 1] for convenience.
    tables = jax.random.normal(k3, (F, V, 1), dtype=jnp.float32) * 0.05
    # Dense(1) regression layer over concat([continuous, emb_0, ..., emb_25]) -> dim DC+F
    W = jax.random.normal(k4, (DC + F, 1), dtype=jnp.float32) * 0.05
    b = jnp.zeros((1,), dtype=jnp.float32)
    return {"continuous": continuous, "discrete": discrete, "tables": tables, "W": W, "b": b}

def reference(continuous, discrete, tables, W, b):
    # embeddings[i](discrete[:, i]) -> [B, 1] for each field i; gather per field.
    field_ids = jnp.arange(F)[None, :]              # [1, F]
    embs = tables[field_ids, discrete]              # [B, F, 1]
    embs = embs.reshape(continuous.shape[0], F)     # concat of F [B,1] slices -> [B, F]
    feat = jnp.concatenate([continuous, embs], axis=-1)  # [B, DC+F]
    out = feat @ W + b                              # Dense(1)
    return out

if __name__ == "__main__":
    import jax
    _d = setup_inputs()
    print(jax.jit(kernel)(*tuple(_d.values())))

</pallas_src>

<mosaic_0001>
#map = affine_map<(d0, d1) -> (0)>
module attributes {stable_mosaic.version = 14 : i64} {
  func.func @_sc_body(%arg0: i32, %arg1: i32, %arg2: memref<2602496xf32, #tpu.memory_space<hbm>>, %arg3: memref<425984xi32, #tpu.memory_space<hbm>>, %arg4: memref<212992xf32, #tpu.memory_space<hbm>>, %arg5: memref<640xf32, #tpu.memory_space<hbm>>, %arg6: memref<16384xf32, #tpu.memory_space<hbm>>, %arg7: memref<13312xi32, #tpu.memory_space<vmem>>, %arg8: memref<13312xf32, #tpu.memory_space<vmem>>, %arg9: memref<6656xf32, #tpu.memory_space<vmem>>, %arg10: memref<640xf32, #tpu.memory_space<vmem>>, %arg11: memref<512xf32, #tpu.memory_space<vmem>>, %arg12: memref<!tpu.dma_semaphore, #tpu.memory_space<semaphore_mem>>) attributes {dimension_semantics = [#tpu.dimension_semantics<core_parallel>, #tpu.dimension_semantics<subcore_parallel>], iteration_bounds = array<i64: 2, 16>, scalar_prefetch = 0 : i64, scratch_operands = 6 : i64, tpu.core_type = #tpu.core_type<sc_vector_subcore>, window_params = [{transform_indices = #map}, {transform_indices = #map}, {transform_indices = #map}, {transform_indices = #map}, {transform_indices = #map}]} {
    %mul3A = arith.constant 2 : i32
    %mul3A_0 = arith.muli %arg1, %mul3A : i32
    %add3A = arith.addi %mul3A_0, %arg0 : i32
    %mul3A_1 = arith.constant 13312 : i32
    %mul3A_2 = arith.muli %add3A, %mul3A_1 : i32
    "tpu.region"() ({
      %run_scoped3A = tpu.sem_alloc : memref<!tpu.dma_semaphore, #tpu.memory_space<semaphore_mem>>
      %dma_start3A = tpu.memref_slice %arg3[%mul3A_2] : memref<425984xi32, #tpu.memory_space<hbm>> -> memref<13312xi32, #tpu.memory_space<hbm>>
      %dma_start3A_100 = tpu.memref_slice %arg3[%mul3A_2] : memref<425984xi32, #tpu.memory_space<hbm>> -> memref<13312xi32, #tpu.memory_space<hbm>>
      tpu.enqueue_dma source(%dma_start3A_100 : memref<13312xi32, #tpu.memory_space<hbm>>) target(%arg7 : memref<13312xi32, #tpu.memory_space<vmem>>) target_semaphore(%run_scoped3A : memref<!tpu.dma_semaphore, #tpu.memory_space<semaphore_mem>>)
      %dma_wait3A = tpu.memref_slice %arg3[%mul3A_2] : memref<425984xi32, #tpu.memory_space<hbm>> -> memref<13312xi32, #tpu.memory_space<hbm>>
      %dma_wait3A_101 = tpu.memref_slice %arg3[%mul3A_2] : memref<425984xi32, #tpu.memory_space<hbm>> -> memref<13312xi32, #tpu.memory_space<hbm>>
      tpu.wait_dma2 semaphore(%run_scoped3A : memref<!tpu.dma_semaphore, #tpu.memory_space<semaphore_mem>>) src(%dma_wait3A_101 : memref<13312xi32, #tpu.memory_space<hbm>>) dst(%arg7 : memref<13312xi32, #tpu.memory_space<vmem>>)
      tpu.yield
    }) : () -> ()
    %scan3A = arith.constant 0 : i32
    %scan3A_3 = arith.constant 26 : i32
    %scan3A_4 = arith.addi %scan3A, %scan3A_3 : i32
    %scan3A_5 = arith.constant 1 : i32
    scf.for %scan3A_100 = %scan3A to %scan3A_4 step %scan3A_5  : i32 {
      %mul3A_101 = arith.constant 1 : i32
      %mul3A_102 = arith.muli %scan3A_100, %mul3A_101 : i32
      %add3A_103 = arith.constant 0 : i32
      %add3A_104 = arith.addi %add3A_103, %mul3A_102 : i32
      %mul3A_105 = arith.constant 512 : i32
      %mul3A_106 = arith.muli %add3A_104, %mul3A_105 : i32
      %dma_start3A = tpu.memref_slice %arg8[%mul3A_106] : memref<13312xf32, #tpu.memory_space<vmem>> -> memref<512xf32, #tpu.memory_space<vmem>>
      %dma_start3A_107 = tpu.memref_slice %arg7[%mul3A_106] : memref<13312xi32, #tpu.memory_space<vmem>> -> memref<512xi32, #tpu.memory_space<vmem>>
      %dma_start3A_108 = arith.constant 0 : i32
      %dma_start3A_109 = tpu.memref_slice %arg2[%dma_start3A_108] : memref<2602496xf32, #tpu.memory_space<hbm>> -> memref<2602496xf32, #tpu.memory_space<hbm>>
      tpu.enqueue_indirect_dma source(%dma_start3A_109 : memref<2602496xf32, #tpu.memory_space<hbm>>) target(%dma_start3A : memref<512xf32, #tpu.memory_space<vmem>>) offsets(%dma_start3A_107 : memref<512xi32, #tpu.memory_space<vmem>>) semaphore(%arg12 : memref<!tpu.dma_semaphore, #tpu.memory_space<semaphore_mem>>)
    }
    %scan3A_6 = arith.constant 26 : i32
    %mul3A_7 = arith.constant 6656 : i32
    %mul3A_8 = arith.muli %add3A, %mul3A_7 : i32
    "tpu.region"() ({
      %run_scoped3A = tpu.sem_alloc : memref<!tpu.dma_semaphore, #tpu.memory_space<semaphore_mem>>
      %dma_start3A = tpu.memref_slice %arg4[%mul3A_8] : memref<212992xf32, #tpu.memory_space<hbm>> -> memref<6656xf32, #tpu.memory_space<hbm>>
      %dma_start3A_100 = tpu.memref_slice %arg4[%mul3A_8] : memref<212992xf32, #tpu.memory_space<hbm>> -> memref<6656xf32, #tpu.memory_space<hbm>>
      tpu.enqueue_dma source(%dma_start3A_100 : memref<6656xf32, #tpu.memory_space<hbm>>) target(%arg9 : memref<6656xf32, #tpu.memory_space<vmem>>) target_semaphore(%run_scoped3A : memref<!tpu.dma_semaphore, #tpu.memory_space<semaphore_mem>>)
      %dma_wait3A = tpu.memref_slice %arg4[%mul3A_8] : memref<212992xf32, #tpu.memory_space<hbm>> -> memref<6656xf32, #tpu.memory_space<hbm>>
      %dma_wait3A_101 = tpu.memref_slice %arg4[%mul3A_8] : memref<212992xf32, #tpu.memory_space<hbm>> -> memref<6656xf32, #tpu.memory_space<hbm>>
      tpu.wait_dma2 semaphore(%run_scoped3A : memref<!tpu.dma_semaphore, #tpu.memory_space<semaphore_mem>>) src(%dma_wait3A_101 : memref<6656xf32, #tpu.memory_space<hbm>>) dst(%arg9 : memref<6656xf32, #tpu.memory_space<vmem>>)
      tpu.yield
    }) : () -> ()
    "tpu.region"() ({
      %run_scoped3A = tpu.sem_alloc : memref<!tpu.dma_semaphore, #tpu.memory_space<semaphore_mem>>
      tpu.enqueue_dma source(%arg5 : memref<640xf32, #tpu.memory_space<hbm>>) target(%arg10 : memref<640xf32, #tpu.memory_space<vmem>>) target_semaphore(%run_scoped3A : memref<!tpu.dma_semaphore, #tpu.memory_space<semaphore_mem>>)
      tpu.wait_dma2 semaphore(%run_scoped3A : memref<!tpu.dma_semaphore, #tpu.memory_space<semaphore_mem>>) src(%arg5 : memref<640xf32, #tpu.memory_space<hbm>>) dst(%arg10 : memref<640xf32, #tpu.memory_space<vmem>>)
      tpu.yield
    }) : () -> ()
    %scan3A_9 = arith.constant 0 : i32
    %scan3A_10 = arith.constant 26 : i32
    %scan3A_11 = arith.addi %scan3A_9, %scan3A_10 : i32
    %scan3A_12 = arith.constant 1 : i32
    scf.for %scan3A_100 = %scan3A_9 to %scan3A_11 step %scan3A_12  : i32 {
      %mul3A_101 = arith.constant 1 : i32
      %mul3A_102 = arith.muli %scan3A_100, %mul3A_101 : i32
      %add3A_103 = arith.constant 0 : i32
      %add3A_104 = arith.addi %add3A_103, %mul3A_102 : i32
      %mul3A_105 = arith.constant 512 : i32
      %mul3A_106 = arith.muli %add3A_104, %mul3A_105 : i32
      %dma_wait3A = tpu.memref_slice %arg8[%mul3A_106] : memref<13312xf32, #tpu.memory_space<vmem>> -> memref<512xf32, #tpu.memory_space<vmem>>
      %dma_wait3A_107 = tpu.memref_slice %arg7[%mul3A_106] : memref<13312xi32, #tpu.memory_space<vmem>> -> memref<512xi32, #tpu.memory_space<vmem>>
      %dma_wait3A_108 = arith.constant 0 : i32
      %dma_wait3A_109 = tpu.memref_slice %arg2[%dma_wait3A_108] : memref<2602496xf32, #tpu.memory_space<hbm>> -> memref<2602496xf32, #tpu.memory_space<hbm>>
      tpu.wait_indirect_dma semaphore(%arg12 : memref<!tpu.dma_semaphore, #tpu.memory_space<semaphore_mem>>) src(%dma_wait3A_109 : memref<2602496xf32, #tpu.memory_space<hbm>>) dst(%dma_wait3A : memref<512xf32, #tpu.memory_space<vmem>>)
    }
    %scan3A_13 = arith.constant 26 : i32
    %get3A = arith.constant 0 : index
    %get3A_14 = tpu.vector_load %arg10[%get3A] {strides = array<i32>} : memref<640xf32, #tpu.memory_space<vmem>>, vector<16xf32>,
    %get3A_15 = arith.constant 16 : index
    %get3A_16 = tpu.vector_load %arg10[%get3A_15] {strides = array<i32>} : memref<640xf32, #tpu.memory_space<vmem>>, vector<16xf32>,
    %get3A_17 = arith.constant 32 : index
    %get3A_18 = tpu.vector_load %arg10[%get3A_17] {strides = array<i32>} : memref<640xf32, #tpu.memory_space<vmem>>, vector<16xf32>,
    %get3A_19 = arith.constant 48 : index
    %get3A_20 = tpu.vector_load %arg10[%get3A_19] {strides = array<i32>} : memref<640xf32, #tpu.memory_space<vmem>>, vector<16xf32>,
    %get3A_21 = arith.constant 64 : index
    %get3A_22 = tpu.vector_load %arg10[%get3A_21] {strides = array<i32>} : memref<640xf32, #tpu.memory_space<vmem>>, vector<16xf32>,
    %get3A_23 = arith.constant 80 : index
    %get3A_24 = tpu.vector_load %arg10[%get3A_23] {strides = array<i32>} : memref<640xf32, #tpu.memory_space<vmem>>, vector<16xf32>,
    %get3A_25 = arith.constant 96 : index
    %get3A_26 = tpu.vector_load %arg10[%get3A_25] {strides = array<i32>} : memref<640xf32, #tpu.memory_space<vmem>>, vector<16xf32>,
    %get3A_27 = arith.constant 112 : index
    %get3A_28 = tpu.vector_load %arg10[%get3A_27] {strides = array<i32>} : memref<640xf32, #tpu.memory_space<vmem>>, vector<16xf32>,
    %get3A_29 = arith.constant 128 : index
    %get3A_30 = tpu.vector_load %arg10[%get3A_29] {strides = array<i32>} : memref<640xf32, #tpu.memory_space<vmem>>, vector<16xf32>,
    %get3A_31 = arith.constant 144 : index
    %get3A_32 = tpu.vector_load %arg10[%get3A_31] {strides = array<i32>} : memref<640xf32, #tpu.memory_space<vmem>>, vector<16xf32>,
    %get3A_33 = arith.constant 160 : index
    %get3A_34 = tpu.vector_load %arg10[%get3A_33] {strides = array<i32>} : memref<640xf32, #tpu.memory_space<vmem>>, vector<16xf32>,
    %get3A_35 = arith.constant 176 : index
    %get3A_36 = tpu.vector_load %arg10[%get3A_35] {strides = array<i32>} : memref<640xf32, #tpu.memory_space<vmem>>, vector<16xf32>,
    %get3A_37 = arith.constant 192 : index
    %get3A_38 = tpu.vector_load %arg10[%get3A_37] {strides = array<i32>} : memref<640xf32, #tpu.memory_space<vmem>>, vector<16xf32>,
    %get3A_39 = arith.constant 208 : index
    %get3A_40 = tpu.vector_load %arg10[%get3A_39] {strides = array<i32>} : memref<640xf32, #tpu.memory_space<vmem>>, vector<16xf32>,
    %get3A_41 = arith.constant 224 : index
    %get3A_42 = tpu.vector_load %arg10[%get3A_41] {strides = array<i32>} : memref<640xf32, #tpu.memory_space<vmem>>, vector<16xf32>,
    %get3A_43 = arith.constant 240 : index
    %get3A_44 = tpu.vector_load %arg10[%get3A_43] {strides = array<i32>} : memref<640xf32, #tpu.memory_space<vmem>>, vector<16xf32>,
    %get3A_45 = arith.constant 256 : index
    %get3A_46 = tpu.vector_load %arg10[%get3A_45] {strides = array<i32>} : memref<640xf32, #tpu.memory_space<vmem>>, vector<16xf32>,
    %get3A_47 = arith.constant 272 : index
    %get3A_48 = tpu.vector_load %arg10[%get3A_47] {strides = array<i32>} : memref<640xf32, #tpu.memory_space<vmem>>, vector<16xf32>,
    %get3A_49 = arith.constant 288 : index
    %get3A_50 = tpu.vector_load %arg10[%get3A_49] {strides = array<i32>} : memref<640xf32, #tpu.memory_space<vmem>>, vector<16xf32>,
    %get3A_51 = arith.constant 304 : index
    %get3A_52 = tpu.vector_load %arg10[%get3A_51] {strides = array<i32>} : memref<640xf32, #tpu.memory_space<vmem>>, vector<16xf32>,
    %get3A_53 = arith.constant 320 : index
    %get3A_54 = tpu.vector_load %arg10[%get3A_53] {strides = array<i32>} : memref<640xf32, #tpu.memory_space<vmem>>, vector<16xf32>,
    %get3A_55 = arith.constant 336 : index
    %get3A_56 = tpu.vector_load %arg10[%get3A_55] {strides = array<i32>} : memref<640xf32, #tpu.memory_space<vmem>>, vector<16xf32>,
    %get3A_57 = arith.constant 352 : index
    %get3A_58 = tpu.vector_load %arg10[%get3A_57] {strides = array<i32>} : memref<640xf32, #tpu.memory_space<vmem>>, vector<16xf32>,
    %get3A_59 = arith.constant 368 : index
    %get3A_60 = tpu.vector_load %arg10[%get3A_59] {strides = array<i32>} : memref<640xf32, #tpu.memory_space<vmem>>, vector<16xf32>,
    %get3A_61 = arith.constant 384 : index
    %get3A_62 = tpu.vector_load %arg10[%get3A_61] {strides = array<i32>} : memref<640xf32, #tpu.memory_space<vmem>>, vector<16xf32>,
    %get3A_63 = arith.constant 400 : index
    %get3A_64 = tpu.vector_load %arg10[%get3A_63] {strides = array<i32>} : memref<640xf32, #tpu.memory_space<vmem>>, vector<16xf32>,
    %get3A_65 = arith.constant 416 : index
    %get3A_66 = tpu.vector_load %arg10[%get3A_65] {strides = array<i32>} : memref<640xf32, #tpu.memory_space<vmem>>, vector<16xf32>,
    %get3A_67 = arith.constant 432 : index
    %get3A_68 = tpu.vector_load %arg10[%get3A_67] {strides = array<i32>} : memref<640xf32, #tpu.memory_space<vmem>>, vector<16xf32>,
    %get3A_69 = arith.constant 448 : index
    %get3A_70 = tpu.vector_load %arg10[%get3A_69] {strides = array<i32>} : memref<640xf32, #tpu.memory_space<vmem>>, vector<16xf32>,
    %get3A_71 = arith.constant 464 : index
    %get3A_72 = tpu.vector_load %arg10[%get3A_71] {strides = array<i32>} : memref<640xf32, #tpu.memory_space<vmem>>, vector<16xf32>,
    %get3A_73 = arith.constant 480 : index
    %get3A_74 = tpu.vector_load %arg10[%get3A_73] {strides = array<i32>} : memref<640xf32, #tpu.memory_space<vmem>>, vector<16xf32>,
    %get3A_75 = arith.constant 496 : index
    %get3A_76 = tpu.vector_load %arg10[%get3A_75] {strides = array<i32>} : memref<640xf32, #tpu.memory_space<vmem>>, vector<16xf32>,
    %get3A_77 = arith.constant 512 : index
    %get3A_78 = tpu.vector_load %arg10[%get3A_77] {strides = array<i32>} : memref<640xf32, #tpu.memory_space<vmem>>, vector<16xf32>,
    %get3A_79 = arith.constant 528 : index
    %get3A_80 = tpu.vector_load %arg10[%get3A_79] {strides = array<i32>} : memref<640xf32, #tpu.memory_space<vmem>>, vector<16xf32>,
    %get3A_81 = arith.constant 544 : index
    %get3A_82 = tpu.vector_load %arg10[%get3A_81] {strides = array<i32>} : memref<640xf32, #tpu.memory_space<vmem>>, vector<16xf32>,
    %get3A_83 = arith.constant 560 : index
    %get3A_84 = tpu.vector_load %arg10[%get3A_83] {strides = array<i32>} : memref<640xf32, #tpu.memory_space<vmem>>, vector<16xf32>,
    %get3A_85 = arith.constant 576 : index
    %get3A_86 = tpu.vector_load %arg10[%get3A_85] {strides = array<i32>} : memref<640xf32, #tpu.memory_space<vmem>>, vector<16xf32>,
    %get3A_87 = arith.constant 592 : index
    %get3A_88 = tpu.vector_load %arg10[%get3A_87] {strides = array<i32>} : memref<640xf32, #tpu.memory_space<vmem>>, vector<16xf32>,
    %get3A_89 = arith.constant 608 : index
    %get3A_90 = tpu.vector_load %arg10[%get3A_89] {strides = array<i32>} : memref<640xf32, #tpu.memory_space<vmem>>, vector<16xf32>,
    %get3A_91 = arith.constant 624 : index
    %get3A_92 = tpu.vector_load %arg10[%get3A_91] {strides = array<i32>} : memref<640xf32, #tpu.memory_space<vmem>>, vector<16xf32>,
    %scan3A_93 = arith.constant 0 : i32
    %scan3A_94 = arith.constant 32 : i32
    %scan3A_95 = arith.addi %scan3A_93, %scan3A_94 : i32
    %scan3A_96 = arith.constant 1 : i32
    scf.for %scan3A_100 = %scan3A_93 to %scan3A_95 step %scan3A_96  : i32 {
      %mul3A_101 = arith.constant 1 : i32
      %mul3A_102 = arith.muli %scan3A_100, %mul3A_101 : i32
      %add3A_103 = arith.constant 0 : i32
      %add3A_104 = arith.addi %add3A_103, %mul3A_102 : i32
      %mul3A_105 = arith.constant 16 : i32
      %mul3A_106 = arith.muli %add3A_104, %mul3A_105 : i32
      %add3A_107 = arith.constant 0 : i32
      %add3A_108 = arith.addi %add3A_107, %mul3A_106 : i32
      %get3A_109 = arith.index_cast %add3A_108 : i32 to index
      %get3A_110 = tpu.vector_load %arg9[%get3A_109] {strides = array<i32>} : memref<6656xf32, #tpu.memory_space<vmem>>, vector<16xf32>,
      %mul3A_111 = arith.mulf %get3A_110, %get3A_14 : vector<16xf32>
      %add3A_112 = arith.addf %get3A_92, %mul3A_111 : vector<16xf32>
      %mul3A_113 = arith.constant 16 : i32
      %mul3A_114 = arith.muli %add3A_104, %mul3A_113 : i32
      %add3A_115 = arith.constant 512 : i32
      %add3A_116 = arith.addi %add3A_115, %mul3A_114 : i32
      %get3A_117 = arith.index_cast %add3A_116 : i32 to index
      %get3A_118 = tpu.vector_load %arg9[%get3A_117] {strides = array<i32>} : memref<6656xf32, #tpu.memory_space<vmem>>, vector<16xf32>,
      %mul3A_119 = arith.mulf %get3A_118, %get3A_16 : vector<16xf32>
      %add3A_120 = arith.addf %add3A_112, %mul3A_119 : vector<16xf32>
      %mul3A_121 = arith.constant 16 : i32
      %mul3A_122 = arith.muli %add3A_104, %mul3A_121 : i32
      %add3A_123 = arith.constant 1024 : i32
      %add3A_124 = arith.addi %add3A_123, %mul3A_122 : i32
      %get3A_125 = arith.index_cast %add3A_124 : i32 to index
      %get3A_126 = tpu.vector_load %arg9[%get3A_125] {strides = array<i32>} : memref<6656xf32, #tpu.memory_space<vmem>>, vector<16xf32>,
      %mul3A_127 = arith.mulf %get3A_126, %get3A_18 : vector<16xf32>
      %add3A_128 = arith.addf %add3A_120, %mul3A_127 : vector<16xf32>
      %mul3A_129 = arith.constant 16 : i32
      %mul3A_130 = arith.muli %add3A_104, %mul3A_129 : i32
      %add3A_131 = arith.constant 1536 : i32
      %add3A_132 = arith.addi %add3A_131, %mul3A_130 : i32
      %get3A_133 = arith.index_cast %add3A_132 : i32 to index
      %get3A_134 = tpu.vector_load %arg9[%get3A_133] {strides = array<i32>} : memref<6656xf32, #tpu.memory_space<vmem>>, vector<16xf32>,
      %mul3A_135 = arith.mulf %get3A_134, %get3A_20 : vector<16xf32>
      %add3A_136 = arith.addf %add3A_128, %mul3A_135 : vector<16xf32>
      %mul3A_137 = arith.constant 16 : i32
      %mul3A_138 = arith.muli %add3A_104, %mul3A_137 : i32
      %add3A_139 = arith.constant 2048 : i32
      %add3A_140 = arith.addi %add3A_139, %mul3A_138 : i32
      %get3A_141 = arith.index_cast %add3A_140 : i32 to index
      %get3A_142 = tpu.vector_load %arg9[%get3A_141] {strides = array<i32>} : memref<6656xf32, #tpu.memory_space<vmem>>, vector<16xf32>,
      %mul3A_143 = arith.mulf %get3A_142, %get3A_22 : vector<16xf32>
      %add3A_144 = arith.addf %add3A_136, %mul3A_143 : vector<16xf32>
      %mul3A_145 = arith.constant 16 : i32
      %mul3A_146 = arith.muli %add3A_104, %mul3A_145 : i32
      %add3A_147 = arith.constant 2560 : i32
      %add3A_148 = arith.addi %add3A_147, %mul3A_146 : i32
      %get3A_149 = arith.index_cast %add3A_148 : i32 to index
      %get3A_150 = tpu.vector_load %arg9[%get3A_149] {strides = array<i32>} : memref<6656xf32, #tpu.memory_space<vmem>>, vector<16xf32>,
      %mul3A_151 = arith.mulf %get3A_150, %get3A_24 : vector<16xf32>
      %add3A_152 = arith.addf %add3A_144, %mul3A_151 : vector<16xf32>
      %mul3A_153 = arith.constant 16 : i32
      %mul3A_154 = arith.muli %add3A_104, %mul3A_153 : i32
      %add3A_155 = arith.constant 3072 : i32
      %add3A_156 = arith.addi %add3A_155, %mul3A_154 : i32
      %get3A_157 = arith.index_cast %add3A_156 : i32 to index
      %get3A_158 = tpu.vector_load %arg9[%get3A_157] {strides = array<i32>} : memref<6656xf32, #tpu.memory_space<vmem>>, vector<16xf32>,
      %mul3A_159 = arith.mulf %get3A_158, %get3A_26 : vector<16xf32>
      %add3A_160 = arith.addf %add3A_152, %mul3A_159 : vector<16xf32>
      %mul3A_161 = arith.constant 16 : i32
      %mul3A_162 = arith.muli %add3A_104, %mul3A_161 : i32
      %add3A_163 = arith.constant 3584 : i32
      %add3A_164 = arith.addi %add3A_163, %mul3A_162 : i32
      %get3A_165 = arith.index_cast %add3A_164 : i32 to index
      %get3A_166 = tpu.vector_load %arg9[%get3A_165] {strides = array<i32>} : memref<6656xf32, #tpu.memory_space<vmem>>, vector<16xf32>,
      %mul3A_167 = arith.mulf %get3A_166, %get3A_28 : vector<16xf32>
      %add3A_168 = arith.addf %add3A_160, %mul3A_167 : vector<16xf32>
      %mul3A_169 = arith.constant 16 : i32
      %mul3A_170 = arith.muli %add3A_104, %mul3A_169 : i32
      %add3A_171 = arith.constant 4096 : i32
      %add3A_172 = arith.addi %add3A_171, %mul3A_170 : i32
      %get3A_173 = arith.index_cast %add3A_172 : i32 to index
      %get3A_174 = tpu.vector_load %arg9[%get3A_173] {strides = array<i32>} : memref<6656xf32, #tpu.memory_space<vmem>>, vector<16xf32>,
      %mul3A_175 = arith.mulf %get3A_174, %get3A_30 : vector<16xf32>
      %add3A_176 = arith.addf %add3A_168, %mul3A_175 : vector<16xf32>
      %mul3A_177 = arith.constant 16 : i32
      %mul3A_178 = arith.muli %add3A_104, %mul3A_177 : i32
      %add3A_179 = arith.constant 4608 : i32
      %add3A_180 = arith.addi %add3A_179, %mul3A_178 : i32
      %get3A_181 = arith.index_cast %add3A_180 : i32 to index
      %get3A_182 = tpu.vector_load %arg9[%get3A_181] {strides = array<i32>} : memref<6656xf32, #tpu.memory_space<vmem>>, vector<16xf32>,
      %mul3A_183 = arith.mulf %get3A_182, %get3A_32 : vector<16xf32>
      %add3A_184 = arith.addf %add3A_176, %mul3A_183 : vector<16xf32>
      %mul3A_185 = arith.constant 16 : i32
      %mul3A_186 = arith.muli %add3A_104, %mul3A_185 : i32
      %add3A_187 = arith.constant 5120 : i32
      %add3A_188 = arith.addi %add3A_187, %mul3A_186 : i32
      %get3A_189 = arith.index_cast %add3A_188 : i32 to index
      %get3A_190 = tpu.vector_load %arg9[%get3A_189] {strides = array<i32>} : memref<6656xf32, #tpu.memory_space<vmem>>, vector<16xf32>,
      %mul3A_191 = arith.mulf %get3A_190, %get3A_34 : vector<16xf32>
      %add3A_192 = arith.addf %add3A_184, %mul3A_191 : vector<16xf32>
      %mul3A_193 = arith.constant 16 : i32
      %mul3A_194 = arith.muli %add3A_104, %mul3A_193 : i32
      %add3A_195 = arith.constant 5632 : i32
      %add3A_196 = arith.addi %add3A_195, %mul3A_194 : i32
      %get3A_197 = arith.index_cast %add3A_196 : i32 to index
      %get3A_198 = tpu.vector_load %arg9[%get3A_197] {strides = array<i32>} : memref<6656xf32, #tpu.memory_space<vmem>>, vector<16xf32>,
      %mul3A_199 = arith.mulf %get3A_198, %get3A_36 : vector<16xf32>
      %add3A_200 = arith.addf %add3A_192, %mul3A_199 : vector<16xf32>
      %mul3A_201 = arith.constant 16 : i32
      %mul3A_202 = arith.muli %add3A_104, %mul3A_201 : i32
      %add3A_203 = arith.constant 6144 : i32
      %add3A_204 = arith.addi %add3A_203, %mul3A_202 : i32
      %get3A_205 = arith.index_cast %add3A_204 : i32 to index
      %get3A_206 = tpu.vector_load %arg9[%get3A_205] {strides = array<i32>} : memref<6656xf32, #tpu.memory_space<vmem>>, vector<16xf32>,
      %mul3A_207 = arith.mulf %get3A_206, %get3A_38 : vector<16xf32>
      %add3A_208 = arith.addf %add3A_200, %mul3A_207 : vector<16xf32>
      %mul3A_209 = arith.constant 16 : i32
      %mul3A_210 = arith.muli %add3A_104, %mul3A_209 : i32
      %add3A_211 = arith.constant 0 : i32
      %add3A_212 = arith.addi %add3A_211, %mul3A_210 : i32
      %get3A_213 = arith.index_cast %add3A_212 : i32 to index
      %get3A_214 = tpu.vector_load %arg8[%get3A_213] {strides = array<i32>} : memref<13312xf32, #tpu.memory_space<vmem>>, vector<16xf32>,
      %mul3A_215 = arith.mulf %get3A_214, %get3A_40 : vector<16xf32>
      %add3A_216 = arith.addf %add3A_208, %mul3A_215 : vector<16xf32>
      %mul3A_217 = arith.constant 16 : i32
      %mul3A_218 = arith.muli %add3A_104, %mul3A_217 : i32
      %add3A_219 = arith.constant 512 : i32
      %add3A_220 = arith.addi %add3A_219, %mul3A_218 : i32
      %get3A_221 = arith.index_cast %add3A_220 : i32 to index
      %get3A_222 = tpu.vector_load %arg8[%get3A_221] {strides = array<i32>} : memref<13312xf32, #tpu.memory_space<vmem>>, vector<16xf32>,
      %mul3A_223 = arith.mulf %get3A_222, %get3A_42 : vector<16xf32>
      %add3A_224 = arith.addf %add3A_216, %mul3A_223 : vector<16xf32>
      %mul3A_225 = arith.constant 16 : i32
      %mul3A_226 = arith.muli %add3A_104, %mul3A_225 : i32
      %add3A_227 = arith.constant 1024 : i32
      %add3A_228 = arith.addi %add3A_227, %mul3A_226 : i32
      %get3A_229 = arith.index_cast %add3A_228 : i32 to index
      %get3A_230 = tpu.vector_load %arg8[%get3A_229] {strides = array<i32>} : memref<13312xf32, #tpu.memory_space<vmem>>, vector<16xf32>,
      %mul3A_231 = arith.mulf %get3A_230, %get3A_44 : vector<16xf32>
      %add3A_232 = arith.addf %add3A_224, %mul3A_231 : vector<16xf32>
      %mul3A_233 = arith.constant 16 : i32
      %mul3A_234 = arith.muli %add3A_104, %mul3A_233 : i32
      %add3A_235 = arith.constant 1536 : i32
      %add3A_236 = arith.addi %add3A_235, %mul3A_234 : i32
      %get3A_237 = arith.index_cast %add3A_236 : i32 to index
      %get3A_238 = tpu.vector_load %arg8[%get3A_237] {strides = array<i32>} : memref<13312xf32, #tpu.memory_space<vmem>>, vector<16xf32>,
      %mul3A_239 = arith.mulf %get3A_238, %get3A_46 : vector<16xf32>
      %add3A_240 = arith.addf %add3A_232, %mul3A_239 : vector<16xf32>
      %mul3A_241 = arith.constant 16 : i32
      %mul3A_242 = arith.muli %add3A_104, %mul3A_241 : i32
      %add3A_243 = arith.constant 2048 : i32
      %add3A_244 = arith.addi %add3A_243, %mul3A_242 : i32
      %get3A_245 = arith.index_cast %add3A_244 : i32 to index
      %get3A_246 = tpu.vector_load %arg8[%get3A_245] {strides = array<i32>} : memref<13312xf32, #tpu.memory_space<vmem>>, vector<16xf32>,
      %mul3A_247 = arith.mulf %get3A_246, %get3A_48 : vector<16xf32>
      %add3A_248 = arith.addf %add3A_240, %mul3A_247 : vector<16xf32>
      %mul3A_249 = arith.constant 16 : i32
      %mul3A_250 = arith.muli %add3A_104, %mul3A_249 : i32
      %add3A_251 = arith.constant 2560 : i32
      %add3A_252 = arith.addi %add3A_251, %mul3A_250 : i32
      %get3A_253 = arith.index_cast %add3A_252 : i32 to index
      %get3A_254 = tpu.vector_load %arg8[%get3A_253] {strides = array<i32>} : memref<13312xf32, #tpu.memory_space<vmem>>, vector<16xf32>,
      %mul3A_255 = arith.mulf %get3A_254, %get3A_50 : vector<16xf32>
      %add3A_256 = arith.addf %add3A_248, %mul3A_255 : vector<16xf32>
      %mul3A_257 = arith.constant 16 : i32
      %mul3A_258 = arith.muli %add3A_104, %mul3A_257 : i32
      %add3A_259 = arith.constant 3072 : i32
      %add3A_260 = arith.addi %add3A_259, %mul3A_258 : i32
      %get3A_261 = arith.index_cast %add3A_260 : i32 to index
      %get3A_262 = tpu.vector_load %arg8[%get3A_261] {strides = array<i32>} : memref<13312xf32, #tpu.memory_space<vmem>>, vector<16xf32>,
      %mul3A_263 = arith.mulf %get3A_262, %get3A_52 : vector<16xf32>
      %add3A_264 = arith.addf %add3A_256, %mul3A_263 : vector<16xf32>
      %mul3A_265 = arith.constant 16 : i32
      %mul3A_266 = arith.muli %add3A_104, %mul3A_265 : i32
      %add3A_267 = arith.constant 3584 : i32
      %add3A_268 = arith.addi %add3A_267, %mul3A_266 : i32
      %get3A_269 = arith.index_cast %add3A_268 : i32 to index
      %get3A_270 = tpu.vector_load %arg8[%get3A_269] {strides = array<i32>} : memref<13312xf32, #tpu.memory_space<vmem>>, vector<16xf32>,
      %mul3A_271 = arith.mulf %get3A_270, %get3A_54 : vector<16xf32>
      %add3A_272 = arith.addf %add3A_264, %mul3A_271 : vector<16xf32>
      %mul3A_273 = arith.constant 16 : i32
      %mul3A_274 = arith.muli %add3A_104, %mul3A_273 : i32
      %add3A_275 = arith.constant 4096 : i32
      %add3A_276 = arith.addi %add3A_275, %mul3A_274 : i32
      %get3A_277 = arith.index_cast %add3A_276 : i32 to index
      %get3A_278 = tpu.vector_load %arg8[%get3A_277] {strides = array<i32>} : memref<13312xf32, #tpu.memory_space<vmem>>, vector<16xf32>,
      %mul3A_279 = arith.mulf %get3A_278, %get3A_56 : vector<16xf32>
      %add3A_280 = arith.addf %add3A_272, %mul3A_279 : vector<16xf32>
      %mul3A_281 = arith.constant 16 : i32
      %mul3A_282 = arith.muli %add3A_104, %mul3A_281 : i32
      %add3A_283 = arith.constant 4608 : i32
      %add3A_284 = arith.addi %add3A_283, %mul3A_282 : i32
      %get3A_285 = arith.index_cast %add3A_284 : i32 to index
      %get3A_286 = tpu.vector_load %arg8[%get3A_285] {strides = array<i32>} : memref<13312xf32, #tpu.memory_space<vmem>>, vector<16xf32>,
      %mul3A_287 = arith.mulf %get3A_286, %get3A_58 : vector<16xf32>
      %add3A_288 = arith.addf %add3A_280, %mul3A_287 : vector<16xf32>
      %mul3A_289 = arith.constant 16 : i32
      %mul3A_290 = arith.muli %add3A_104, %mul3A_289 : i32
      %add3A_291 = arith.constant 5120 : i32
      %add3A_292 = arith.addi %add3A_291, %mul3A_290 : i32
      %get3A_293 = arith.index_cast %add3A_292 : i32 to index
      %get3A_294 = tpu.vector_load %arg8[%get3A_293] {strides = array<i32>} : memref<13312xf32, #tpu.memory_space<vmem>>, vector<16xf32>,
      %mul3A_295 = arith.mulf %get3A_294, %get3A_60 : vector<16xf32>
      %add3A_296 = arith.addf %add3A_288, %mul3A_295 : vector<16xf32>
      %mul3A_297 = arith.constant 16 : i32
      %mul3A_298 = arith.muli %add3A_104, %mul3A_297 : i32
      %add3A_299 = arith.constant 5632 : i32
      %add3A_300 = arith.addi %add3A_299, %mul3A_298 : i32
      %get3A_301 = arith.index_cast %add3A_300 : i32 to index
      %get3A_302 = tpu.vector_load %arg8[%get3A_301] {strides = array<i32>} : memref<13312xf32, #tpu.memory_space<vmem>>, vector<16xf32>,
      %mul3A_303 = arith.mulf %get3A_302, %get3A_62 : vector<16xf32>
      %add3A_304 = arith.addf %add3A_296, %mul3A_303 : vector<16xf32>
      %mul3A_305 = arith.constant 16 : i32
      %mul3A_306 = arith.muli %add3A_104, %mul3A_305 : i32
      %add3A_307 = arith.constant 6144 : i32
      %add3A_308 = arith.addi %add3A_307, %mul3A_306 : i32
      %get3A_309 = arith.index_cast %add3A_308 : i32 to index
      %get3A_310 = tpu.vector_load %arg8[%get3A_309] {strides = array<i32>} : memref<13312xf32, #tpu.memory_space<vmem>>, vector<16xf32>,
      %mul3A_311 = arith.mulf %get3A_310, %get3A_64 : vector<16xf32>
      %add3A_312 = arith.addf %add3A_304, %mul3A_311 : vector<16xf32>
      %mul3A_313 = arith.constant 16 : i32
      %mul3A_314 = arith.muli %add3A_104, %mul3A_313 : i32
      %add3A_315 = arith.constant 6656 : i32
      %add3A_316 = arith.addi %add3A_315, %mul3A_314 : i32
      %get3A_317 = arith.index_cast %add3A_316 : i32 to index
      %get3A_318 = tpu.vector_load %arg8[%get3A_317] {strides = array<i32>} : memref<13312xf32, #tpu.memory_space<vmem>>, vector<16xf32>,
      %mul3A_319 = arith.mulf %get3A_318, %get3A_66 : vector<16xf32>
      %add3A_320 = arith.addf %add3A_312, %mul3A_319 : vector<16xf32>
      %mul3A_321 = arith.constant 16 : i32
      %mul3A_322 = arith.muli %add3A_104, %mul3A_321 : i32
      %add3A_323 = arith.constant 7168 : i32
      %add3A_324 = arith.addi %add3A_323, %mul3A_322 : i32
      %get3A_325 = arith.index_cast %add3A_324 : i32 to index
      %get3A_326 = tpu.vector_load %arg8[%get3A_325] {strides = array<i32>} : memref<13312xf32, #tpu.memory_space<vmem>>, vector<16xf32>,
      %mul3A_327 = arith.mulf %get3A_326, %get3A_68 : vector<16xf32>
      %add3A_328 = arith.addf %add3A_320, %mul3A_327 : vector<16xf32>
      %mul3A_329 = arith.constant 16 : i32
      %mul3A_330 = arith.muli %add3A_104, %mul3A_329 : i32
      %add3A_331 = arith.constant 7680 : i32
      %add3A_332 = arith.addi %add3A_331, %mul3A_330 : i32
      %get3A_333 = arith.index_cast %add3A_332 : i32 to index
      %get3A_334 = tpu.vector_load %arg8[%get3A_333] {strides = array<i32>} : memref<13312xf32, #tpu.memory_space<vmem>>, vector<16xf32>,
      %mul3A_335 = arith.mulf %get3A_334, %get3A_70 : vector<16xf32>
      %add3A_336 = arith.addf %add3A_328, %mul3A_335 : vector<16xf32>
      %mul3A_337 = arith.constant 16 : i32
      %mul3A_338 = arith.muli %add3A_104, %mul3A_337 : i32
      %add3A_339 = arith.constant 8192 : i32
      %add3A_340 = arith.addi %add3A_339, %mul3A_338 : i32
      %get3A_341 = arith.index_cast %add3A_340 : i32 to index
      %get3A_342 = tpu.vector_load %arg8[%get3A_341] {strides = array<i32>} : memref<13312xf32, #tpu.memory_space<vmem>>, vector<16xf32>,
      %mul3A_343 = arith.mulf %get3A_342, %get3A_72 : vector<16xf32>
      %add3A_344 = arith.addf %add3A_336, %mul3A_343 : vector<16xf32>
      %mul3A_345 = arith.constant 16 : i32
      %mul3A_346 = arith.muli %add3A_104, %mul3A_345 : i32
      %add3A_347 = arith.constant 8704 : i32
      %add3A_348 = arith.addi %add3A_347, %mul3A_346 : i32
      %get3A_349 = arith.index_cast %add3A_348 : i32 to index
      %get3A_350 = tpu.vector_load %arg8[%get3A_349] {strides = array<i32>} : memref<13312xf32, #tpu.memory_space<vmem>>, vector<16xf32>,
      %mul3A_351 = arith.mulf %get3A_350, %get3A_74 : vector<16xf32>
      %add3A_352 = arith.addf %add3A_344, %mul3A_351 : vector<16xf32>
      %mul3A_353 = arith.constant 16 : i32
      %mul3A_354 = arith.muli %add3A_104, %mul3A_353 : i32
      %add3A_355 = arith.constant 9216 : i32
      %add3A_356 = arith.addi %add3A_355, %mul3A_354 : i32
      %get3A_357 = arith.index_cast %add3A_356 : i32 to index
      %get3A_358 = tpu.vector_load %arg8[%get3A_357] {strides = array<i32>} : memref<13312xf32, #tpu.memory_space<vmem>>, vector<16xf32>,
      %mul3A_359 = arith.mulf %get3A_358, %get3A_76 : vector<16xf32>
      %add3A_360 = arith.addf %add3A_352, %mul3A_359 : vector<16xf32>
      %mul3A_361 = arith.constant 16 : i32
      %mul3A_362 = arith.muli %add3A_104, %mul3A_361 : i32
      %add3A_363 = arith.constant 9728 : i32
      %add3A_364 = arith.addi %add3A_363, %mul3A_362 : i32
      %get3A_365 = arith.index_cast %add3A_364 : i32 to index
      %get3A_366 = tpu.vector_load %arg8[%get3A_365] {strides = array<i32>} : memref<13312xf32, #tpu.memory_space<vmem>>, vector<16xf32>,
      %mul3A_367 = arith.mulf %get3A_366, %get3A_78 : vector<16xf32>
      %add3A_368 = arith.addf %add3A_360, %mul3A_367 : vector<16xf32>
      %mul3A_369 = arith.constant 16 : i32
      %mul3A_370 = arith.muli %add3A_104, %mul3A_369 : i32
      %add3A_371 = arith.constant 10240 : i32
      %add3A_372 = arith.addi %add3A_371, %mul3A_370 : i32
      %get3A_373 = arith.index_cast %add3A_372 : i32 to index
      %get3A_374 = tpu.vector_load %arg8[%get3A_373] {strides = array<i32>} : memref<13312xf32, #tpu.memory_space<vmem>>, vector<16xf32>,
      %mul3A_375 = arith.mulf %get3A_374, %get3A_80 : vector<16xf32>
      %add3A_376 = arith.addf %add3A_368, %mul3A_375 : vector<16xf32>
      %mul3A_377 = arith.constant 16 : i32
      %mul3A_378 = arith.muli %add3A_104, %mul3A_377 : i32
      %add3A_379 = arith.constant 10752 : i32
      %add3A_380 = arith.addi %add3A_379, %mul3A_378 : i32
      %get3A_381 = arith.index_cast %add3A_380 : i32 to index
      %get3A_382 = tpu.vector_load %arg8[%get3A_381] {strides = array<i32>} : memref<13312xf32, #tpu.memory_space<vmem>>, vector<16xf32>,
      %mul3A_383 = arith.mulf %get3A_382, %get3A_82 : vector<16xf32>
      %add3A_384 = arith.addf %add3A_376, %mul3A_383 : vector<16xf32>
      %mul3A_385 = arith.constant 16 : i32
      %mul3A_386 = arith.muli %add3A_104, %mul3A_385 : i32
      %add3A_387 = arith.constant 11264 : i32
      %add3A_388 = arith.addi %add3A_387, %mul3A_386 : i32
      %get3A_389 = arith.index_cast %add3A_388 : i32 to index
      %get3A_390 = tpu.vector_load %arg8[%get3A_389] {strides = array<i32>} : memref<13312xf32, #tpu.memory_space<vmem>>, vector<16xf32>,
      %mul3A_391 = arith.mulf %get3A_390, %get3A_84 : vector<16xf32>
      %add3A_392 = arith.addf %add3A_384, %mul3A_391 : vector<16xf32>
      %mul3A_393 = arith.constant 16 : i32
      %mul3A_394 = arith.muli %add3A_104, %mul3A_393 : i32
      %add3A_395 = arith.constant 11776 : i32
      %add3A_396 = arith.addi %add3A_395, %mul3A_394 : i32
      %get3A_397 = arith.index_cast %add3A_396 : i32 to index
      %get3A_398 = tpu.vector_load %arg8[%get3A_397] {strides = array<i32>} : memref<13312xf32, #tpu.memory_space<vmem>>, vector<16xf32>,
      %mul3A_399 = arith.mulf %get3A_398, %get3A_86 : vector<16xf32>
      %add3A_400 = arith.addf %add3A_392, %mul3A_399 : vector<16xf32>
      %mul3A_401 = arith.constant 16 : i32
      %mul3A_402 = arith.muli %add3A_104, %mul3A_401 : i32
      %add3A_403 = arith.constant 12288 : i32
      %add3A_404 = arith.addi %add3A_403, %mul3A_402 : i32
      %get3A_405 = arith.index_cast %add3A_404 : i32 to index
      %get3A_406 = tpu.vector_load %arg8[%get3A_405] {strides = array<i32>} : memref<13312xf32, #tpu.memory_space<vmem>>, vector<16xf32>,
      %mul3A_407 = arith.mulf %get3A_406, %get3A_88 : vector<16xf32>
      %add3A_408 = arith.addf %add3A_400, %mul3A_407 : vector<16xf32>
      %mul3A_409 = arith.constant 16 : i32
      %mul3A_410 = arith.muli %add3A_104, %mul3A_409 : i32
      %add3A_411 = arith.constant 12800 : i32
      %add3A_412 = arith.addi %add3A_411, %mul3A_410 : i32
      %get3A_413 = arith.index_cast %add3A_412 : i32 to index
      %get3A_414 = tpu.vector_load %arg8[%get3A_413] {strides = array<i32>} : memref<13312xf32, #tpu.memory_space<vmem>>, vector<16xf32>,
      %mul3A_415 = arith.mulf %get3A_414, %get3A_90 : vector<16xf32>
      %add3A_416 = arith.addf %add3A_408, %mul3A_415 : vector<16xf32>
      %mul3A_417 = arith.constant 16 : i32
      %mul3A_418 = arith.muli %add3A_104, %mul3A_417 : i32
      %swap3A = arith.index_cast %mul3A_418 : i32 to index
      %swap3A_419 = tpu.vector_load %arg11[%swap3A] {strides = array<i32>} : memref<512xf32, #tpu.memory_space<vmem>>, vector<16xf32>,
      tpu.vector_store %arg11[%swap3A], %add3A_416 {strides = array<i32>} : memref<512xf32, #tpu.memory_space<vmem>>, vector<16xf32>,
    }
    %scan3A_97 = arith.constant 32 : i32
    %mul3A_98 = arith.constant 512 : i32
    %mul3A_99 = arith.muli %add3A, %mul3A_98 : i32
    "tpu.region"() ({
      %run_scoped3A = tpu.sem_alloc : memref<!tpu.dma_semaphore, #tpu.memory_space<semaphore_mem>>
      %dma_start3A = tpu.memref_slice %arg6[%mul3A_99] : memref<16384xf32, #tpu.memory_space<hbm>> -> memref<512xf32, #tpu.memory_space<hbm>>
      %dma_start3A_100 = tpu.memref_slice %arg6[%mul3A_99] : memref<16384xf32, #tpu.memory_space<hbm>> -> memref<512xf32, #tpu.memory_space<hbm>>
      tpu.enqueue_dma source(%arg11 : memref<512xf32, #tpu.memory_space<vmem>>) target(%dma_start3A_100 : memref<512xf32, #tpu.memory_space<hbm>>) target_semaphore(%run_scoped3A : memref<!tpu.dma_semaphore, #tpu.memory_space<semaphore_mem>>)
      %dma_wait3A = tpu.memref_slice %arg6[%mul3A_99] : memref<16384xf32, #tpu.memory_space<hbm>> -> memref<512xf32, #tpu.memory_space<hbm>>
      %dma_wait3A_101 = tpu.memref_slice %arg6[%mul3A_99] : memref<16384xf32, #tpu.memory_space<hbm>> -> memref<512xf32, #tpu.memory_space<hbm>>
      tpu.wait_dma2 semaphore(%run_scoped3A : memref<!tpu.dma_semaphore, #tpu.memory_space<semaphore_mem>>) src(%arg11 : memref<512xf32, #tpu.memory_space<vmem>>) dst(%dma_wait3A_101 : memref<512xf32, #tpu.memory_space<hbm>>)
      tpu.yield
    }) : () -> ()
    return
  }
}

</mosaic_0001>

<sc_bundles>
// kernel: _run.3.cloned.1.call-start
scs
__scs_entry_jumppad:
0x0: {  	(pc) =	sbr.rel $0x88, $3  }
0x1: {  	(tag) =	ssettag $0x0;
	lr =	simm.s32 $0x1  }
0x2: {  	[smem:$0x3F9D] =	sst lr;
	_ =	strace $0xD0000000  }
0x3: {  	_ = 	snop  }
0x4: {  	_ = 	snop  }
0x5: {  	_ = 	snop  }
0x6: {  	_ = 	snop  }
0x7: {  	_ = 	snop  }
__scs_overlays_trampoline_lowered:
0x8: {  	[smem:$0x3FAC] =	sst s0  }
0x9: {  	[smem:$0x3FAD] =	sst s1  }
0xa: {  	[smem:$0x3FAE] =	sst s2  }
0xb: {  	[smem:$0x3FAF] =	sst s3  }
0xc: {  	[smem:$0x3FB0] =	sst s4  }
0xd: {  	[smem:$0x3FB1] =	sst s5  }
0xe: {  	[smem:$0x3FB2] =	sst s6  }
0xf: {  	[smem:$0x3FB3] =	sst s7  }
0x10: {  	[smem:$0x3FB4] =	sst s8  }
0x11: {  	[smem:$0x3FB5] =	sst s9;
	s0 =	simm.s32 @!p0 $0x0  }
0x12: {  	s1 =	sld [smem:$0x3F9B];
	s0 =	simm.s32 @p0 $0x1  }
0x13: {  	[smem:$0x3FB6] =	sst s0;
	s0 =	simm.s32 @!p1 $0x0  }
0x14: {  	s2 =	sld [smem:$0x3F9A];
	s0 =	simm.s32 @p1 $0x1  }
0x15: {  	[smem:$0x3FB7] =	sst s0;
	s0 =	simm.s32 @!p2 $0x0  }
0x16: {  	s3 =	sld [smem:$0x3FDB];
	s0 =	simm.s32 @p2 $0x1  }
0x17: {  	s4 =	simm.s32 $0x1BF5;
	[smem:$0x3FB9] =	sst s0  }
0x18: {  	s0 =	sld [smem:$0x3F9C];
	_ =	swait.ge [sflag:s4], $0x0  }
0x19: {  	s7 =	sld [smem:$0x3F9D]  }
0x1a: {  	s8 =	sadd.s32 $0xFFFFE003, lr  }
0x1b: {  	s9 =	sadd.s32 $0xFFFFFEF7, lr;
	s5 =	simm.s32 $0xFFFFFFFF;
	p2 =	slt.u32 s8, $0xFFFFF086  }
0x1c: {  	p1 =	slt.u32 s9, $0xF7A;
	s5 =	simm.s32 @!p2 $0x0  }
0x1d: {  	s5 =	simm.s32 @p1 $0x1;
	p0 =	seq.s32 s7, s2  }
0x1e: {  	s7 =	smul.u32 @!p0 $0xF7A, s2;
	p2 =	seq.s32 @!p0 s5, $0x0  }
0x1f: {  	s9 =	smul.u32 $0xF7A, s1;
	s8 =	simm.s32 @!p0 $0x1BF5;
	p2 =	por !p2, p0  }
0x20: {  	[sflag:s8] =	ssyncset.s32 @!p0 $0xFFFFF086;
	s6 =	sadd.s32 @!p0 s3, s7;
	s7 =	simm.s32 @!p0 $0x108  }
0x21: {  	s3 =	sadd.s32 s3, s9;
	s6 =	sadd.s32 @!p0 $0x88, s6;
	s7 =	simm.s32 @p2 $0x1082  }
0x22: {  	[simem:s7], [sflag:s8] =	dma.local @!p0 [hbm:s6], $0xF7A  }
0x23: {  	s9 =	sor.u32 $0xD0000000, s2;
	s6 =	simm.s32 $0x108;
	_ =	swait.ge @!p0 [sflag:s8], $0x0  }
0x24: {  	s3 =	sadd.s32 $0x88, s3;
	s6 =	simm.s32 @!p1 $0x1082;
	[sflag:s4] =	ssyncset.s32 $0xFFFFF086  }
0x25: {  	[simem:s6], [sflag:s4] =	dma.local [hbm:s3], $0xF7A  }
0x26: {  	[smem:$0x3F9D] =	sst s1;
	(tag) =	ssettag s2;
	_ =	strace s9  }
0x27: {  	s1 =	sld [smem:$0x3FAD]  }
0x28: {  	s2 =	sld [smem:$0x3FAE]  }
0x29: {  	s4 =	sld [smem:$0x3FB0]  }
0x2a: {  	p0 =	seq.s32 s5, $0x0;
	s5 =	sld [smem:$0x3FB1]  }
0x2b: {  	s6 =	sld [smem:$0x3FB2]  }
0x2c: {  	s7 =	sld [smem:$0x3FB3]  }
0x2d: {  	s3 =	simm.s32 $0x108;
	s8 =	sld [smem:$0x3FB4]  }
0x2e: {  	s3 =	simm.s32 @!p0 $0x1082;
	s9 =	sld [smem:$0x3FB5]  }
0x2f: {  	lr =	sadd.s32 s0, s3;
	s0 =	sld [smem:$0x3FAC]  }
0x30: {  	s3 =	sld [smem:$0x3FAF]  }
0x31: {  	[smem:$0x3FB8] =	sst s10  }
0x32: {  	s10 =	sld [smem:$0x3FB6];
	_ =	sdelay $0x3  }
0x33: {  	p0 =	seq.s32 s10, $0x1;
	s10 =	sld [smem:$0x3FB8];
	_ =	sdelay $0x3  }
0x34: {  	[smem:$0x3FB8] =	sst s10  }
0x35: {  	s10 =	sld [smem:$0x3FB7];
	_ =	sdelay $0x3  }
0x36: {  	p1 =	seq.s32 s10, $0x1;
	s10 =	sld [smem:$0x3FB8];
	_ =	sdelay $0x3  }
0x37: {  	[smem:$0x3FB8] =	sst s10  }
0x38: {  	s10 =	sld [smem:$0x3FB9]  }
0x39: {  	_ = 	snop;
	(pc) =	sbr.ind lr, $3  }
0x3a: {  	_ = 	snop  }
0x3b: {  	_ = 	snop  }
0x3c: {  	p2 =	seq.s32 s10, $0x1;
	s10 =	sld [smem:$0x3FB8]  }
0x3d: {  	_ =	shalt  }
0x3e: {  	_ =	shalt  }
0x3f: {  	_ =	shalt  }
0x40: {  	_ =	shalt  }
0x41: {  	_ =	shalt  }
0x42: {  	_ =	shalt  }
0x43: {  	_ =	shalt  }
0x44: {  	_ =	shalt  }
0x45: {  	_ =	shalt  }
0x46: {  	_ =	shalt  }
0x47: {  	_ =	shalt  }
0x48: {  	_ =	shalt  }
0x49: {  	_ =	shalt  }
0x4a: {  	_ =	shalt  }
0x4b: {  	_ =	shalt  }
0x4c: {  	_ =	shalt  }
0x4d: {  	_ =	shalt  }
0x4e: {  	_ =	shalt  }
0x4f: {  	_ =	shalt  }
0x50: {  	_ =	shalt  }
0x51: {  	_ =	shalt  }
0x52: {  	_ =	shalt  }
0x53: {  	_ =	shalt  }
0x54: {  	_ =	shalt  }
0x55: {  	_ =	shalt  }
0x56: {  	_ =	shalt  }
0x57: {  	_ =	shalt  }
0x58: {  	_ =	shalt  }
0x59: {  	_ =	shalt  }
0x5a: {  	_ =	shalt  }
0x5b: {  	_ =	shalt  }
0x5c: {  	_ =	shalt  }
0x5d: {  	_ =	shalt  }
0x5e: {  	_ =	shalt  }
0x5f: {  	_ =	shalt  }
0x60: {  	_ =	shalt  }
0x61: {  	_ =	shalt  }
0x62: {  	_ =	shalt  }
0x63: {  	_ =	shalt  }
0x64: {  	_ =	shalt  }
0x65: {  	_ =	shalt  }
0x66: {  	_ =	shalt  }
0x67: {  	_ =	shalt  }
0x68: {  	_ =	shalt  }
0x69: {  	_ =	shalt  }
0x6a: {  	_ =	shalt  }
0x6b: {  	_ =	shalt  }
0x6c: {  	_ =	shalt  }
0x6d: {  	_ =	shalt  }
0x6e: {  	_ =	shalt  }
0x6f: {  	_ =	shalt  }
0x70: {  	_ =	shalt  }
0x71: {  	_ =	shalt  }
0x72: {  	_ =	shalt  }
0x73: {  	_ =	shalt  }
0x74: {  	_ =	shalt  }
0x75: {  	_ =	shalt  }
0x76: {  	_ =	shalt  }
0x77: {  	_ =	shalt  }
0x78: {  	_ =	shalt  }
0x79: {  	_ =	shalt  }
0x7a: {  	_ =	shalt  }
0x7b: {  	_ =	shalt  }
0x7c: {  	_ =	shalt  }
0x7d: {  	_ =	shalt  }
0x7e: {  	_ =	shalt  }
0x7f: {  	_ =	shalt  }
0x80: {  	_ =	shalt  }
0x81: {  	_ =	shalt  }
0x82: {  	_ =	shalt  }
0x83: {  	_ =	shalt  }
0x84: {  	_ =	shalt  }
0x85: {  	_ =	shalt  }
0x86: {  	_ =	shalt  }
0x87: {  	_ =	shalt  }
.Lfunc_end0:
.L_simem_size_0:
called_computation_lowered:
.L_overlay_start_0:
0x88: {  	s2 =	sld [smem:$0x3FD9]  }
0x89: {  	s3 =	sld [smem:$0x3FFE];
	_ =	sdelay $0x1  }
0x8a: {  	s1 =	srdreg.scid  }
0x8b: {  	s0 =	sand.u32 $0x1, s1  }
0x8c: {  	s18 =	sshll.u32 s0, $0xA;
	s2 =	sadd.s32 s3, s2  }
0x8d: {  	s2 =	sadd.s32 s2, s18  }
0x8e: {  	[smem:$0x3FC4] =	sst s2  }
0x8f: {  	_ = 	snop  }
0x90: {  	s2 =	sld [smem:$0x3FC9]  }
0x91: {  	s19 =	sld [smem:$0x3FC8]  }
0x92: {  	s4 =	sld [smem:$0x3FC7]  }
0x93: {  	s5 =	sld [smem:$0x3FC6]  }
0x94: {  	s6 =	sld [smem:$0x3FD0];
	(tm) =	ssettm $0x1  }
0x95: {  	s7 =	sld [smem:$0x3FFB];
	_ =	sdelay $0x3  }
0x96: {  	_ =	strace s7  }
0x97: {  	s7 =	sld [smem:$0x3FFC];
	_ =	sdelay $0x3  }
0x98: {  	_ =	strace s7  }
0x99: {  	s7 =	sld [smem:$0x3FFD];
	_ =	sdelay $0x3  }
0x9a: {  	_ =	strace s7  }
0x9b: {  	_ =	strace $0x8FFFFFFF  }
0x9c: {  	s20 =	sld [smem:$0x3FDB];
	_ =	sdelay $0x1  }
0x9d: {  	s8 =	simm.s32 $_scs_section_size  }
0x9e: {  	s9 =	simm.s32 $_size__tile_overlayer_lowered;
	s10 =	simm.s32 $_tile_overlayer_lowered  }
0x9f: {  	s23 =	simm.s32 $0x1BFF;
	s22 =	sshll.u32 s10, $0x1;
	s7 =	sadd.s32 s8, s20  }
0xa0: {  	s11 =	simm.s32 $0x0;
	s21 =	sshll.u32 s9, $0x1;
	s9 =	sadd.s32 s22, s7  }
0xa1: {  	[timem:s11], [sflag:s23] =	dma.local [hbm:s9], s21  }
0xa2: {  	_ =	swait.ge [sflag:s23], s21  }
0xa3: {  	s8 =	ssub.s32 $0x0, s21;
	[sflag:s23] =	ssyncset.done $0x0  }
0xa4: {  	[sflag:s23] =	ssyncadd.s32 s8;
	_ =	sdelay $0x1  }
0xa5: {  	s24 =	simm.s32 $0x1B8B  }
0xa6: {  	_ =	swait.ge [sflag:s24], $0x1  }
0xa7: {  	[sflag:s24] =	ssyncset.done $0x0  }
0xa8: {  	s25 =	simm.s32 $0x1B8E;
	[sflag:s24] =	ssyncadd.s32 $0xFFFFFFFF  }
0xa9: {  	s26 =	simm.s32 $execute0_lowered;
	[smem:$0x3FD2] =	sst s25  }
0xaa: {  	s8 =	sshll.u32 s26, $0x1;
	_ =	strace $0x80000046;
	[dreg:$0x1] =	wrdreg $0xFFFFFFFF  }
0xab: {  	s28 =	simm.s32 $_size_execute0_lowered;
	s7 =	sadd.s32 s7, s8;
	[dreg:$0x0] =	wrdreg $0x0  }
0xac: {  	s8 =	sshll.u32 s28, $0x1;
	[dreg:$0x2] =	wrdreg s7  }
0xad: {  	[dreg:$0x3] =	wrdreg s8  }
0xae: {  	[dreg:$0x4] =	wrdreg $0xC0  }
0xaf: {  	_ =	task [dreg:s11], $0x5FFFF  }
0xb0: {  	[dreg:$0x1] =	wrdreg $0xFFFFFFFF  }
0xb1: {  	[dreg:$0x0] =	wrdreg $0x60  }
0xb2: {  	[dreg:$0x2] =	wrdreg s2  }
0xb3: {  	[dreg:$0x3] =	wrdreg s19  }
0xb4: {  	[dreg:$0x4] =	wrdreg s4  }
0xb5: {  	[dreg:$0x5] =	wrdreg s5  }
0xb6: {  	[dreg:$0x6] =	wrdreg s6  }
0xb7: {  	[dreg:$0x7] =	wrdreg $0x9  }
0xb8: {  	_ =	task.clear_ibuf [dreg:s11], $0x8FFFF;
	_ =	strace $0x90000046  }
0xb9: {  	s29 =	simm.s32 $0x9;
	_ =	strace $0x80000048  }
0xba: {  	_ =	swait.ge [sflag:s29], $0x1  }
0xbb: {  	[sflag:s29] =	ssyncadd.s32 $0xFFFFFFFF  }
0xbc: {  	_ =	strace $0x90000048  }
0xbd: {  	_ =	sfence  }
0xbe: {  	s30 =	sld [smem:$0x0];
	_ =	sdelay $0x2  }
0xbf: {  	s31 =	sshll.u32 s1, $0xD;
	s1 =	sshrl.u32 s1, $0x2  }
0xc0: {  	s3 =	sand.u32 $0x4000, s31;
	s1 =	sadd.s32 s1, s30  }
0xc1: {  	s0 =	sor.u32 s3, s0;
	s1 =	sshll.u32 s1, $0x11  }
0xc2: {  	s0 =	sor.u32 s1, s0  }
0xc3: {  	s0 =	sadd.s32 $0x8F2B, s0  }
0xc4: {  	[sflag:s0] =	ssyncadd.remote.s32 $0x1  }
0xc5: {  	_ =	sfence.sel $0xFFFF  }
0xc6: {  	[dreg:$0x0] =	wrdreg $0xFFFFFFFF;
	(pc) =	sbr.abs _section_cstart, $3  }
0xc7: {  	[dreg:$0x1] =	wrdreg $0xFFFFFFFF  }
0xc8: {  	_ =	task.clear_ibuf [dreg:s11], $0x2FFFF;
	_ =	strace $0x9FFFFFFF  }
0xc9: {  	(tm) =	ssettm $0x7FFFFFFF  }
tec
execute0_lowered:
.L_overlay_start_1:
0x0: {  	(tag) =	ssettag $0x1  }
0x1: {  	s0 =	rddreg [dreg:$0x0]  }
0x2: {  	s1 =	rddreg [dreg:$0x1]  }
0x3: {  	s2 =	rddreg [dreg:$0x2];
	s3 =	srdreg.scid  }
0x4: {  	s4 =	stileid.u32;
	s7 =	rddreg [dreg:$0x4];
	s10 =	simm.s32 $0x200  }
0x5: {  	s24 =	simm.s32 $0x2600;
	s25 =	simm.s32 $0x5A00;
	s28 =	simm.s32 $0x5C00  }
0x6: {  	s29 =	simm.s32 $0x2A00;
	s30 =	simm.s32 $0x5E00;
	s31 =	simm.s32 $0x2C00  }
0x7: {  	s11 =	simm.s32 $0x3000;
	s12 =	simm.s32 $0x6400;
	s13 =	simm.s32 $0x3200  }
0x8: {  	s14 =	simm.s32 $0x6600;
	s15 =	simm.s32 $0x6800;
	s16 =	simm.s32 $0x8200  }
0x9: {  	s17 =	simm.s32 $0x1;
	s18 =	simm.s32 $0x8480;
	s19 =	simm.s32 $0x0  }
0xa: {  	s3 =	sand.u32 $0x1, s3;
	s5 =	sshll.u32 s4, $0x1;
	s4 =	simm.s32 $0x0  }
0xb: {  	s6 =	sor.u32 s3, s5;
	[smem:$0x7FF] =	sst s4;
	s3 =	ssub.s32 $0x2, s3  }
0xc: {  	s5 =	smul.u32 $0x680, s6;
	_ =	strace $0x80000047;
	s8 =	sshrl.u32 s3, $0x1  }
0xd: {  	s9 =	smul.u32 $0x340, s6;
	s26 =	sshll.u32 s6, $0x6;
	s3 =	ssub.s32 s3, s8  }
0xe: {  	s7 =	sadd.s32 s7, s26;
	s26 =	simm.s32 $0x2800;
	s5 =	sadd.s32 s1, s5  }
0xf: {  	s6 =	sadd.s32 s2, s9;
	s8 =	smax.u32 s3, $0x1;
	s9 =	simm.s32 $0x2  }
0x10: {  	s2 =	simm.s32 $0x6000;
	s1 =	simm.s32 $0x2E00;
	s3 =	simm.s32 $0x6200  }
.LBB2_1:
0x11: {  	[tilespmem:s4], [sflag:$0x2] =	stream.linear.gather [hbm4b:s5+s4], $0x3400, $0x38;
	[tilespmem:$0x8680] =	vst v63  }
0x12: {  	_ =	swait.ge [sflag:s9], $0x3400  }
0x13: {  	[sflag:s9] =	ssyncset.done $0x0  }
0x14: {  	s20 =	simm.s32 $0x3400;
	[sflag:s9] =	ssyncadd.s32 $0xFFFFCC00  }
0x15: {  	[tilespmem:s20], [sflag:$0x1] =	stream.indirect.gather [hbm4b:s0+s10], $0x1, s4, s10, $0xb8;
	[tilespmem:$0x8680] =	vst v63  }
0x16: {  	s22 =	simm.s32 $0x3600  }
0x17: {  	[tilespmem:s22], [sflag:$0x1] =	stream.indirect.gather [hbm4b:s0+s10], $0x1, s10, s10, $0xb8;
	[tilespmem:$0x8680] =	vst v63  }
0x18: {  	s23 =	simm.s32 $0x400;
	s21 =	simm.s32 $0x3800  }
0x19: {  	[tilespmem:s21], [sflag:$0x1] =	stream.indirect.gather [hbm4b:s0+s10], $0x1, s23, s10, $0xb8;
	[tilespmem:$0x8680] =	vst v63  }
0x1a: {  	s22 =	simm.s32 $0x600;
	s23 =	simm.s32 $0x3A00  }
0x1b: {  	[tilespmem:s23], [sflag:$0x1] =	stream.indirect.gather [hbm4b:s0+s10], $0x1, s22, s10, $0xb8;
	[tilespmem:$0x8680] =	vst v63  }
0x1c: {  	s22 =	simm.s32 $0x800;
	s23 =	simm.s32 $0x3C00  }
0x1d: {  	[tilespmem:s23], [sflag:$0x1] =	stream.indirect.gather [hbm4b:s0+s10], $0x1, s22, s10, $0xb8;
	[tilespmem:$0x8680] =	vst v63  }
0x1e: {  	s22 =	simm.s32 $0xA00;
	s23 =	simm.s32 $0x3E00  }
0x1f: {  	[tilespmem:s23], [sflag:$0x1] =	stream.indirect.gather [hbm4b:s0+s10], $0x1, s22, s10, $0xb8;
	[tilespmem:$0x8680] =	vst v63  }
0x20: {  	s22 =	simm.s32 $0xC00;
	s23 =	simm.s32 $0x4000  }
0x21: {  	[tilespmem:s23], [sflag:$0x1] =	stream.indirect.gather [hbm4b:s0+s10], $0x1, s22, s10, $0xb8;
	[tilespmem:$0x8680] =	vst v63  }
0x22: {  	s22 =	simm.s32 $0xE00;
	s23 =	simm.s32 $0x4200  }
0x23: {  	[tilespmem:s23], [sflag:$0x1] =	stream.indirect.gather [hbm4b:s0+s10], $0x1, s22, s10, $0xb8;
	[tilespmem:$0x8680] =	vst v63  }
0x24: {  	s22 =	simm.s32 $0x1000;
	s23 =	simm.s32 $0x4400  }
0x25: {  	[tilespmem:s23], [sflag:$0x1] =	stream.indirect.gather [hbm4b:s0+s10], $0x1, s22, s10, $0xb8;
	[tilespmem:$0x8680] =	vst v63  }
0x26: {  	s22 =	simm.s32 $0x1200;
	s23 =	simm.s32 $0x4600  }
0x27: {  	[tilespmem:s23], [sflag:$0x1] =	stream.indirect.gather [hbm4b:s0+s10], $0x1, s22, s10, $0xb8;
	[tilespmem:$0x8680] =	vst v63  }
0x28: {  	s22 =	simm.s32 $0x1400;
	s23 =	simm.s32 $0x4800  }
0x29: {  	[tilespmem:s23], [sflag:$0x1] =	stream.indirect.gather [hbm4b:s0+s10], $0x1, s22, s10, $0xb8;
	[tilespmem:$0x8680] =	vst v63  }
0x2a: {  	s22 =	simm.s32 $0x1600;
	s23 =	simm.s32 $0x4A00  }
0x2b: {  	[tilespmem:s23], [sflag:$0x1] =	stream.indirect.gather [hbm4b:s0+s10], $0x1, s22, s10, $0xb8;
	[tilespmem:$0x8680] =	vst v63  }
0x2c: {  	s22 =	simm.s32 $0x1800;
	s23 =	simm.s32 $0x4C00  }
0x2d: {  	[tilespmem:s23], [sflag:$0x1] =	stream.indirect.gather [hbm4b:s0+s10], $0x1, s22, s10, $0xb8;
	[tilespmem:$0x8680] =	vst v63  }
0x2e: {  	s22 =	simm.s32 $0x1A00;
	s23 =	simm.s32 $0x4E00  }
0x2f: {  	[tilespmem:s23], [sflag:$0x1] =	stream.indirect.gather [hbm4b:s0+s10], $0x1, s22, s10, $0xb8;
	[tilespmem:$0x8680] =	vst v63  }
0x30: {  	s22 =	simm.s32 $0x1C00;
	s23 =	simm.s32 $0x5000  }
0x31: {  	[tilespmem:s23], [sflag:$0x1] =	stream.indirect.gather [hbm4b:s0+s10], $0x1, s22, s10, $0xb8;
	[tilespmem:$0x8680] =	vst v63  }
0x32: {  	s22 =	simm.s32 $0x1E00;
	s23 =	simm.s32 $0x5200  }
0x33: {  	[tilespmem:s23], [sflag:$0x1] =	stream.indirect.gather [hbm4b:s0+s10], $0x1, s22, s10, $0xb8;
	[tilespmem:$0x8680] =	vst v63  }
0x34: {  	s22 =	simm.s32 $0x2000;
	s23 =	simm.s32 $0x5400  }
0x35: {  	[tilespmem:s23], [sflag:$0x1] =	stream.indirect.gather [hbm4b:s0+s10], $0x1, s22, s10, $0xb8;
	[tilespmem:$0x8680] =	vst v63  }
0x36: {  	s22 =	simm.s32 $0x2200;
	s23 =	simm.s32 $0x5600  }
0x37: {  	[tilespmem:s23], [sflag:$0x1] =	stream.indirect.gather [hbm4b:s0+s10], $0x1, s22, s10, $0xb8;
	[tilespmem:$0x8680] =	vst v63  }
0x38: {  	s21 =	simm.s32 $0x2400;
	s22 =	simm.s32 $0x5800  }
0x39: {  	[tilespmem:s22], [sflag:$0x1] =	stream.indirect.gather [hbm4b:s0+s10], $0x1, s21, s10, $0xb8;
	[tilespmem:$0x8680] =	vst v63  }
0x3a: {  	_ = 	snop  }
0x3b: {  	[tilespmem:s25], [sflag:$0x1] =	stream.indirect.gather [hbm4b:s0+s10], $0x1, s24, s10, $0xb8;
	[tilespmem:$0x8680] =	vst v63  }
0x3c: {  	_ = 	snop  }
0x3d: {  	[tilespmem:s28], [sflag:$0x1] =	stream.indirect.gather [hbm4b:s0+s10], $0x1, s26, s10, $0xb8;
	[tilespmem:$0x8680] =	vst v63  }
0x3e: {  	_ = 	snop  }
0x3f: {  	[tilespmem:s30], [sflag:$0x1] =	stream.indirect.gather [hbm4b:s0+s10], $0x1, s29, s10, $0xb8;
	[tilespmem:$0x8680] =	vst v63  }
0x40: {  	_ = 	snop  }
0x41: {  	[tilespmem:s2], [sflag:$0x1] =	stream.indirect.gather [hbm4b:s0+s10], $0x1, s31, s10, $0xb8;
	[tilespmem:$0x8680] =	vst v63  }
0x42: {  	_ = 	snop  }
0x43: {  	[tilespmem:s3], [sflag:$0x1] =	stream.indirect.gather [hbm4b:s0+s10], $0x1, s1, s10, $0xb8;
	[tilespmem:$0x8680] =	vst v63  }
0x44: {  	_ = 	snop  }
0x45: {  	[tilespmem:s12], [sflag:$0x1] =	stream.indirect.gather [hbm4b:s0+s10], $0x1, s11, s10, $0xb8;
	[tilespmem:$0x8680] =	vst v63  }
0x46: {  	_ = 	snop  }
0x47: {  	[tilespmem:s14], [sflag:$0x1] =	stream.indirect.gather [hbm4b:s0+s10], $0x1, s13, s10, $0xb8;
	[tilespmem:$0x8680] =	vst v63  }
0x48: {  	_ = 	snop  }
0x49: {  	[tilespmem:s15], [sflag:$0x2] =	stream.linear.gather [hbm4b:s6+s4], $0x1A00, $0x38;
	[tilespmem:$0x8680] =	vst v63  }
0x4a: {  	_ =	swait.ge [sflag:s9], $0x1A00  }
0x4b: {  	[sflag:s9] =	ssyncset.done $0x0  }
0x4c: {  	[sflag:s9] =	ssyncadd.s32 $0xFFFFE600  }
0x4d: {  	s23 =	rddreg [dreg:$0x3]  }
0x4e: {  	[tilespmem:s16], [sflag:$0x2] =	stream.linear.gather [hbm4b:s23+s4], $0x280, $0x38;
	[tilespmem:$0x8680] =	vst v63  }
0x4f: {  	_ =	swait.ge [sflag:s9], $0x280  }
0x50: {  	[sflag:s9] =	ssyncset.done $0x0  }
0x51: {  	[sflag:s9] =	ssyncadd.s32 $0xFFFFFD80  }
0x52: {  	_ =	swait.ge [sflag:s17], $0x200  }
0x53: {  	[sflag:s17] =	ssyncset.done $0x0  }
0x54: {  	[sflag:s17] =	ssyncadd.s32 $0xFFFFFE00  }
0x55: {  	_ =	swait.ge [sflag:s17], $0x200  }
0x56: {  	[sflag:s17] =	ssyncset.done $0x0  }
0x57: {  	[sflag:s17] =	ssyncadd.s32 $0xFFFFFE00  }
0x58: {  	_ =	swait.ge [sflag:s17], $0x200  }
0x59: {  	[sflag:s17] =	ssyncset.done $0x0  }
0x5a: {  	[sflag:s17] =	ssyncadd.s32 $0xFFFFFE00  }
0x5b: {  	_ =	swait.ge [sflag:s17], $0x200  }
0x5c: {  	[sflag:s17] =	ssyncset.done $0x0  }
0x5d: {  	[sflag:s17] =	ssyncadd.s32 $0xFFFFFE00  }
0x5e: {  	_ =	swait.ge [sflag:s17], $0x200  }
0x5f: {  	[sflag:s17] =	ssyncset.done $0x0  }
0x60: {  	[sflag:s17] =	ssyncadd.s32 $0xFFFFFE00  }
0x61: {  	_ =	swait.ge [sflag:s17], $0x200  }
0x62: {  	[sflag:s17] =	ssyncset.done $0x0  }
0x63: {  	[sflag:s17] =	ssyncadd.s32 $0xFFFFFE00  }
0x64: {  	_ =	swait.ge [sflag:s17], $0x200  }
0x65: {  	[sflag:s17] =	ssyncset.done $0x0  }
0x66: {  	[sflag:s17] =	ssyncadd.s32 $0xFFFFFE00  }
0x67: {  	_ =	swait.ge [sflag:s17], $0x200  }
0x68: {  	[sflag:s17] =	ssyncset.done $0x0  }
0x69: {  	[sflag:s17] =	ssyncadd.s32 $0xFFFFFE00  }
0x6a: {  	_ =	swait.ge [sflag:s17], $0x200  }
0x6b: {  	[sflag:s17] =	ssyncset.done $0x0  }
0x6c: {  	[sflag:s17] =	ssyncadd.s32 $0xFFFFFE00  }
0x6d: {  	_ =	swait.ge [sflag:s17], $0x200  }
0x6e: {  	[sflag:s17] =	ssyncset.done $0x0  }
0x6f: {  	[sflag:s17] =	ssyncadd.s32 $0xFFFFFE00  }
0x70: {  	_ =	swait.ge [sflag:s17], $0x200  }
0x71: {  	[sflag:s17] =	ssyncset.done $0x0  }
0x72: {  	[sflag:s17] =	ssyncadd.s32 $0xFFFFFE00  }
0x73: {  	_ =	swait.ge [sflag:s17], $0x200  }
0x74: {  	[sflag:s17] =	ssyncset.done $0x0  }
0x75: {  	[sflag:s17] =	ssyncadd.s32 $0xFFFFFE00  }
0x76: {  	_ =	swait.ge [sflag:s17], $0x200  }
0x77: {  	[sflag:s17] =	ssyncset.done $0x0  }
0x78: {  	[sflag:s17] =	ssyncadd.s32 $0xFFFFFE00  }
0x79: {  	_ =	swait.ge [sflag:s17], $0x200  }
0x7a: {  	[sflag:s17] =	ssyncset.done $0x0  }
0x7b: {  	[sflag:s17] =	ssyncadd.s32 $0xFFFFFE00  }
0x7c: {  	_ =	swait.ge [sflag:s17], $0x200  }
0x7d: {  	[sflag:s17] =	ssyncset.done $0x0  }
0x7e: {  	[sflag:s17] =	ssyncadd.s32 $0xFFFFFE00  }
0x7f: {  	_ =	swait.ge [sflag:s17], $0x200  }
0x80: {  	[sflag:s17] =	ssyncset.done $0x0  }
0x81: {  	[sflag:s17] =	ssyncadd.s32 $0xFFFFFE00  }
0x82: {  	_ =	swait.ge [sflag:s17], $0x200  }
0x83: {  	[sflag:s17] =	ssyncset.done $0x0  }
0x84: {  	[sflag:s17] =	ssyncadd.s32 $0xFFFFFE00  }
0x85: {  	_ =	swait.ge [sflag:s17], $0x200  }
0x86: {  	[sflag:s17] =	ssyncset.done $0x0  }
0x87: {  	[sflag:s17] =	ssyncadd.s32 $0xFFFFFE00  }
0x88: {  	_ =	swait.ge [sflag:s17], $0x200  }
0x89: {  	[sflag:s17] =	ssyncset.done $0x0  }
0x8a: {  	[sflag:s17] =	ssyncadd.s32 $0xFFFFFE00  }
0x8b: {  	_ =	swait.ge [sflag:s17], $0x200  }
0x8c: {  	[sflag:s17] =	ssyncset.done $0x0  }
0x8d: {  	[sflag:s17] =	ssyncadd.s32 $0xFFFFFE00  }
0x8e: {  	_ =	swait.ge [sflag:s17], $0x200  }
0x8f: {  	[sflag:s17] =	ssyncset.done $0x0  }
0x90: {  	[sflag:s17] =	ssyncadd.s32 $0xFFFFFE00  }
0x91: {  	_ =	swait.ge [sflag:s17], $0x200  }
0x92: {  	[sflag:s17] =	ssyncset.done $0x0  }
0x93: {  	[sflag:s17] =	ssyncadd.s32 $0xFFFFFE00  }
0x94: {  	_ =	swait.ge [sflag:s17], $0x200  }
0x95: {  	[sflag:s17] =	ssyncset.done $0x0  }
0x96: {  	[sflag:s17] =	ssyncadd.s32 $0xFFFFFE00  }
0x97: {  	_ =	swait.ge [sflag:s17], $0x200  }
0x98: {  	[sflag:s17] =	ssyncset.done $0x0  }
0x99: {  	[sflag:s17] =	ssyncadd.s32 $0xFFFFFE00  }
0x9a: {  	_ =	swait.ge [sflag:s17], $0x200  }
0x9b: {  	[sflag:s17] =	ssyncset.done $0x0  }
0x9c: {  	[sflag:s17] =	ssyncadd.s32 $0xFFFFFE00  }
0x9d: {  	_ =	swait.ge [sflag:s17], $0x200  }
0x9e: {  	[sflag:s17] =	ssyncset.done $0x0  }
0x9f: {  	[sflag:s17] =	ssyncadd.s32 $0xFFFFFE00  }
0xa0: {  	v38 =	vld [tilespmem:$0x8200]  }
0xa1: {  	v37 =	vld [tilespmem:$0x8210]  }
0xa2: {  	v36 =	vld [tilespmem:$0x8220]  }
0xa3: {  	v35 =	vld [tilespmem:$0x8230]  }
0xa4: {  	v34 =	vld [tilespmem:$0x8240]  }
0xa5: {  	v33 =	vld [tilespmem:$0x8250]  }
0xa6: {  	v32 =	vld [tilespmem:$0x8260]  }
0xa7: {  	v31 =	vld [tilespmem:$0x8270]  }
0xa8: {  	v30 =	vld [tilespmem:$0x8280]  }
0xa9: {  	v29 =	vld [tilespmem:$0x8290]  }
0xaa: {  	v28 =	vld [tilespmem:$0x82A0]  }
0xab: {  	v27 =	vld [tilespmem:$0x82B0]  }
0xac: {  	v26 =	vld [tilespmem:$0x82C0]  }
0xad: {  	v25 =	vld [tilespmem:$0x82D0]  }
0xae: {  	v24 =	vld [tilespmem:$0x82E0]  }
0xaf: {  	v23 =	vld [tilespmem:$0x82F0]  }
0xb0: {  	v21 =	vld [tilespmem:$0x8300]  }
0xb1: {  	v16 =	vld [tilespmem:$0x8310]  }
0xb2: {  	v11 =	vld [tilespmem:$0x8320]  }
0xb3: {  	v6 =	vld [tilespmem:$0x8330]  }
0xb4: {  	s21 =	simm.s32 $0x0;
	v0 =	vld [tilespmem:$0x8340]  }
0xb5: {  	v2 =	vld [tilespmem:s21+$0x6800]  }
0xb6: {  	v39 =	vld [tilespmem:$0x8470]  }
0xb7: {  	v4 =	vld [tilespmem:s21+$0x6A00]  }
0xb8: {  	v3 =	vld [tilespmem:$0x8350]  }
0xb9: {  	v5 =	vld [tilespmem:s21+$0x6C00]  }
0xba: {  	v1 =	vld [tilespmem:$0x8360];
	v7 =	vmul.f32 v2, v38  }
0xbb: {  	v8 =	vld [tilespmem:s21+$0x6E00]  }
0xbc: {  	v10 =	vld [tilespmem:s21+$0x7000];
	v9 =	vmul.f32 v4, v37;
	v7 =	vadd.f32 v7, v39  }
0xbd: {  	v12 =	vld [tilespmem:s21+$0x7200]  }
0xbe: {  	v13 =	vld [tilespmem:s21+$0x7400];
	v7 =	vadd.f32 v9, v7;
	v9 =	vmul.f32 v5, v36  }
0xbf: {  	v14 =	vld [tilespmem:s21+$0x7600]  }
0xc0: {  	v15 =	vld [tilespmem:s21+$0x7800];
	v8 =	vmul.f32 v8, v35;
	v9 =	vadd.f32 v9, v7  }
0xc1: {  	v17 =	vld [tilespmem:s21+$0x7A00]  }
0xc2: {  	v18 =	vld [tilespmem:s21+$0x7C00];
	v10 =	vmul.f32 v10, v34;
	v9 =	vadd.f32 v8, v9  }
0xc3: {  	v19 =	vld [tilespmem:s21+$0x7E00]  }
0xc4: {  	v20 =	vld [tilespmem:s21+$0x8000];
	v12 =	vmul.f32 v12, v33;
	v10 =	vadd.f32 v10, v9  }
0xc5: {  	v22 =	vld [tilespmem:s21+$0x3400]  }
0xc6: {  	v40 =	vld [tilespmem:s21+$0x3600];
	v13 =	vmul.f32 v13, v32;
	v12 =	vadd.f32 v12, v10  }
0xc7: {  	v41 =	vld [tilespmem:s21+$0x3800]  }
0xc8: {  	v42 =	vld [tilespmem:s21+$0x3A00];
	v14 =	vmul.f32 v14, v31;
	v13 =	vadd.f32 v13, v12  }
0xc9: {  	v43 =	vld [tilespmem:s21+$0x3C00]  }
0xca: {  	v44 =	vld [tilespmem:s21+$0x3E00];
	v15 =	vmul.f32 v15, v30;
	v14 =	vadd.f32 v14, v13  }
0xcb: {  	s20 =	simm.s32 $0x10;
	v50 =	vld [tilespmem:s21+$0x4000]  }
0xcc: {  	v45 =	vld [tilespmem:s20+$0x6800];
	v17 =	vmul.f32 v17, v29;
	v15 =	vadd.f32 v15, v14  }
0xcd: {  	v52 =	vld [tilespmem:s21+$0x4200]  }
0xce: {  	v46 =	vld [tilespmem:s20+$0x6A00];
	v18 =	vmul.f32 v18, v28;
	v17 =	vadd.f32 v17, v15  }
0xcf: {  	v54 =	vld [tilespmem:s21+$0x4400]  }
0xd0: {  	v47 =	vld [tilespmem:s20+$0x6C00];
	v19 =	vmul.f32 v19, v27;
	v18 =	vadd.f32 v18, v17  }
0xd1: {  	v57 =	vld [tilespmem:s21+$0x4600]  }
0xd2: {  	v48 =	vld [tilespmem:s20+$0x6E00];
	v20 =	vmul.f32 v20, v26;
	v19 =	vadd.f32 v19, v18  }
0xd3: {  	v60 =	vld [tilespmem:s21+$0x4800]  }
0xd4: {  	v63 =	vld [tilespmem:s21+$0x4A00];
	v22 =	vmul.f32 v22, v25;
	v20 =	vadd.f32 v20, v19  }
0xd5: {  	v2 =	vld [tilespmem:$0x8370]  }
0xd6: {  	v4 =	vld [tilespmem:$0x8380];
	v40 =	vmul.f32 v40, v24;
	v22 =	vadd.f32 v22, v20  }
0xd7: {  	v41 =	vmul.f32 v41, v23;
	v58 =	vmul.f32 v52, v0;
	v52 =	vld [tilespmem:s20+$0x7200]  }
0xd8: {  	v55 =	vmul.f32 v50, v6;
	v56 =	vmul.f32 v45, v38;
	v50 =	vld [tilespmem:s21+$0x6200];
	v40 =	vadd.f32 v40, v22  }
0xd9: {  	v49 =	vmul.f32 v42, v21;
	v51 =	vmul.f32 v43, v16;
	v43 =	vld [tilespmem:s21+$0x6400]  }
0xda: {  	v59 =	vmul.f32 v46, v37;
	v42 =	vadd.f32 v56, v39;
	v56 =	vld [tilespmem:s20+$0x7400];
	v40 =	vadd.f32 v41, v40  }
0xdb: {  	v53 =	vmul.f32 v44, v11;
	v5 =	vld [tilespmem:$0x8390]  }
0xdc: {  	v62 =	vmul.f32 v47, v36;
	v42 =	vadd.f32 v59, v42;
	v59 =	vld [tilespmem:s21+$0x4E00];
	v40 =	vadd.f32 v49, v40  }
0xdd: {  	v61 =	vmul.f32 v54, v3;
	v54 =	vmul.f32 v48, v35;
	v7 =	vld [tilespmem:$0x83A0]  }
0xde: {  	v42 =	vadd.f32 v62, v42;
	v62 =	vmul.f32 v52, v33;
	v52 =	vld [tilespmem:s20+$0x7800];
	v40 =	vadd.f32 v51, v40  }
0xdf: {  	v8 =	vld [tilespmem:$0x83B0]  }
0xe0: {  	v42 =	vadd.f32 v54, v42;
	v54 =	vmul.f32 v56, v32;
	v56 =	vld [tilespmem:s20+$0x7A00];
	v40 =	vadd.f32 v53, v40  }
0xe1: {  	v9 =	vld [tilespmem:$0x83C0]  }
0xe2: {  	v10 =	vld [tilespmem:$0x83D0];
	v40 =	vadd.f32 v55, v40  }
0xe3: {  	v12 =	vld [tilespmem:$0x83E0]  }
0xe4: {  	v49 =	vld [tilespmem:s20+$0x7000];
	v40 =	vadd.f32 v58, v40  }
0xe5: {  	v13 =	vld [tilespmem:$0x83F0]  }
0xe6: {  	v14 =	vld [tilespmem:$0x8400];
	v53 =	vmul.f32 v57, v1;
	v40 =	vadd.f32 v61, v40  }
0xe7: {  	v55 =	vld [tilespmem:s21+$0x4C00]  }
0xe8: {  	v15 =	vld [tilespmem:$0x8410];
	v57 =	vmul.f32 v60, v2;
	v40 =	vadd.f32 v53, v40  }
0xe9: {  	v17 =	vld [tilespmem:$0x8420];
	v58 =	vmul.f32 v49, v34  }
0xea: {  	v60 =	vld [tilespmem:s20+$0x7600];
	v61 =	vmul.f32 v63, v4;
	v40 =	vadd.f32 v57, v40  }
0xeb: {  	v42 =	vadd.f32 v58, v42;
	v63 =	vld [tilespmem:s21+$0x5000]  }
0xec: {  	v18 =	vld [tilespmem:$0x8430];
	v53 =	vmul.f32 v55, v5;
	v40 =	vadd.f32 v61, v40  }
0xed: {  	v42 =	vadd.f32 v62, v42;
	v55 =	vld [tilespmem:s21+$0x5200]  }
0xee: {  	v19 =	vld [tilespmem:$0x8440];
	v57 =	vmul.f32 v59, v7;
	v40 =	vadd.f32 v53, v40  }
0xef: {  	v58 =	vmul.f32 v60, v31;
	v42 =	vadd.f32 v54, v42;
	v59 =	vld [tilespmem:s21+$0x5400]  }
0xf0: {  	v60 =	vld [tilespmem:s20+$0x7C00];
	v61 =	vmul.f32 v63, v8;
	v40 =	vadd.f32 v57, v40  }
0xf1: {  	v62 =	vmul.f32 v52, v30;
	v42 =	vadd.f32 v58, v42;
	v63 =	vld [tilespmem:s21+$0x5600]  }
0xf2: {  	v52 =	vld [tilespmem:s20+$0x7E00];
	v53 =	vmul.f32 v55, v9;
	v40 =	vadd.f32 v61, v40  }
0xf3: {  	v54 =	vmul.f32 v56, v29;
	v42 =	vadd.f32 v62, v42;
	v55 =	vld [tilespmem:s21+$0x5800]  }
0xf4: {  	v56 =	vld [tilespmem:s20+$0x8000];
	v57 =	vmul.f32 v59, v10;
	v40 =	vadd.f32 v53, v40  }
0xf5: {  	v58 =	vmul.f32 v60, v28;
	v42 =	vadd.f32 v54, v42;
	v59 =	vld [tilespmem:s21+$0x5A00]  }
0xf6: {  	v60 =	vld [tilespmem:s20+$0x3400];
	v61 =	vmul.f32 v63, v12;
	v40 =	vadd.f32 v57, v40  }
0xf7: {  	v62 =	vmul.f32 v52, v27;
	v42 =	vadd.f32 v58, v42;
	v63 =	vld [tilespmem:s21+$0x5C00]  }
0xf8: {  	v52 =	vld [tilespmem:s20+$0x3600];
	v53 =	vmul.f32 v55, v13;
	v40 =	vadd.f32 v61, v40  }
0xf9: {  	v54 =	vmul.f32 v56, v26;
	v42 =	vadd.f32 v62, v42;
	v55 =	vld [tilespmem:s21+$0x5E00]  }
0xfa: {  	v56 =	vld [tilespmem:s20+$0x3800];
	v57 =	vmul.f32 v59, v14;
	v40 =	vadd.f32 v53, v40  }
0xfb: {  	v58 =	vmul.f32 v60, v25;
	v42 =	vadd.f32 v54, v42;
	v59 =	vld [tilespmem:s21+$0x6000]  }
0xfc: {  	v60 =	vld [tilespmem:s20+$0x3A00];
	v44 =	vmul.f32 v63, v15;
	v41 =	vadd.f32 v57, v40  }
0xfd: {  	v20 =	vld [tilespmem:$0x8450];
	v42 =	vadd.f32 v58, v42;
	v61 =	vmul.f32 v52, v24  }
0xfe: {  	v45 =	vmul.f32 v55, v17;
	v40 =	vld [tilespmem:s20+$0x3C00];
	v44 =	vadd.f32 v44, v41  }
0xff: {  	v22 =	vld [tilespmem:$0x8460];
	v62 =	vmul.f32 v56, v23;
	v42 =	vadd.f32 v61, v42  }
0x100: {  	v51 =	vmul.f32 v59, v18;
	v41 =	vld [tilespmem:s20+$0x3E00];
	v63 =	vadd.f32 v45, v44  }
0x101: {  	v46 =	vmul.f32 v60, v21;
	v45 =	vadd.f32 v62, v42;
	v42 =	vld [tilespmem:s21+$0x6600]  }
0x102: {  	s22 =	simm.s32 $0x20;
	s23 =	simm.s32 $0xC0;
	v48 =	vmul.f32 v50, v19;
	v44 =	vld [tilespmem:s20+$0x4000];
	v47 =	vadd.f32 v51, v63  }
.LBB2_2:
0x103: {  	p0 =	sne.s32 s23, $0x7C0;
	v49 =	vld [tilespmem:s22+$0x6800];
	v45 =	vadd.f32 v46, v45;
	v40 =	vmul.f32 v40, v16  }
0x104: {  	v46 =	vld [tilespmem:s20+$0x4200];
	v47 =	vadd.f32 v48, v47;
	v43 =	vmul.f32 v43, v20  }
0x105: {  	v48 =	vld [tilespmem:s22+$0x6A00];
	v40 =	vadd.f32 v40, v45;
	v41 =	vmul.f32 v41, v11  }
0x106: {  	v45 =	vld [tilespmem:s20+$0x4400];
	v43 =	vadd.f32 v43, v47;
	v42 =	vmul.f32 v42, v22  }
0x107: {  	v47 =	vld [tilespmem:s22+$0x6C00];
	v40 =	vadd.f32 v41, v40;
	v41 =	vmul.f32 v44, v6  }
0x108: {  	v44 =	vmul.f32 v49, v38;
	v49 =	vld [tilespmem:s20+$0x4600];
	v42 =	vadd.f32 v42, v43  }
0x109: {  	v43 =	vld [tilespmem:s22+$0x6E00];
	v40 =	vadd.f32 v41, v40;
	v41 =	vmul.f32 v46, v0  }
0x10a: {  	v44 =	vadd.f32 v44, v39;
	v46 =	vmul.f32 v48, v37;
	v48 =	vld [tilespmem:s20+$0x4800];
	[tilespmem:s21+$0x8480] =	vst v42;
	s21 =	smov.u32 s20;
	s20 =	smov.u32 s22  }
0x10b: {  	v42 =	vld [tilespmem:s20+$0x7000];
	v40 =	vadd.f32 v41, v40;
	v41 =	vmul.f32 v45, v3  }
0x10c: {  	v44 =	vadd.f32 v46, v44;
	v45 =	vmul.f32 v47, v36;
	v46 =	vld [tilespmem:s21+$0x4A00]  }
0x10d: {  	v47 =	vld [tilespmem:s20+$0x7200];
	v40 =	vadd.f32 v41, v40;
	v41 =	vmul.f32 v49, v1  }
0x10e: {  	v44 =	vadd.f32 v45, v44;
	v43 =	vmul.f32 v43, v35;
	v45 =	vld [tilespmem:s21+$0x4C00]  }
0x10f: {  	v49 =	vld [tilespmem:s20+$0x7400];
	v40 =	vadd.f32 v41, v40;
	v41 =	vmul.f32 v48, v2  }
0x110: {  	v43 =	vadd.f32 v43, v44;
	v42 =	vmul.f32 v42, v34;
	v44 =	vld [tilespmem:s21+$0x4E00]  }
0x111: {  	v48 =	vld [tilespmem:s20+$0x7600];
	v40 =	vadd.f32 v41, v40;
	v41 =	vmul.f32 v46, v4  }
0x112: {  	v42 =	vadd.f32 v42, v43;
	v43 =	vmul.f32 v47, v33;
	v46 =	vld [tilespmem:s21+$0x5000]  }
0x113: {  	v47 =	vld [tilespmem:s20+$0x7800];
	v40 =	vadd.f32 v41, v40;
	v41 =	vmul.f32 v45, v5  }
0x114: {  	v42 =	vadd.f32 v43, v42;
	v43 =	vmul.f32 v49, v32;
	v45 =	vld [tilespmem:s21+$0x5200]  }
0x115: {  	v49 =	vld [tilespmem:s20+$0x7A00];
	v40 =	vadd.f32 v41, v40;
	v41 =	vmul.f32 v44, v7  }
0x116: {  	v42 =	vadd.f32 v43, v42;
	v43 =	vmul.f32 v48, v31;
	v44 =	vld [tilespmem:s21+$0x5400]  }
0x117: {  	v48 =	vld [tilespmem:s20+$0x7C00];
	v40 =	vadd.f32 v41, v40;
	v41 =	vmul.f32 v46, v8  }
0x118: {  	v42 =	vadd.f32 v43, v42;
	v43 =	vmul.f32 v47, v30;
	v46 =	vld [tilespmem:s21+$0x5600]  }
0x119: {  	v47 =	vld [tilespmem:s20+$0x7E00];
	v40 =	vadd.f32 v41, v40;
	v41 =	vmul.f32 v45, v9  }
0x11a: {  	v42 =	vadd.f32 v43, v42;
	v43 =	vmul.f32 v49, v29;
	v45 =	vld [tilespmem:s21+$0x5800]  }
0x11b: {  	v49 =	vld [tilespmem:s20+$0x8000];
	v40 =	vadd.f32 v41, v40;
	v41 =	vmul.f32 v44, v10  }
0x11c: {  	v42 =	vadd.f32 v43, v42;
	v43 =	vmul.f32 v48, v28;
	v44 =	vld [tilespmem:s21+$0x5A00]  }
0x11d: {  	v48 =	vld [tilespmem:s20+$0x3400];
	v40 =	vadd.f32 v41, v40;
	v41 =	vmul.f32 v46, v12  }
0x11e: {  	v42 =	vadd.f32 v43, v42;
	v43 =	vmul.f32 v47, v27;
	v46 =	vld [tilespmem:s21+$0x5C00]  }
0x11f: {  	v47 =	vld [tilespmem:s20+$0x3600];
	v40 =	vadd.f32 v41, v40;
	v41 =	vmul.f32 v45, v13  }
0x120: {  	v42 =	vadd.f32 v43, v42;
	v43 =	vmul.f32 v49, v26;
	v45 =	vld [tilespmem:s21+$0x5E00]  }
0x121: {  	v49 =	vld [tilespmem:s20+$0x3800];
	v40 =	vadd.f32 v41, v40;
	v41 =	vmul.f32 v44, v14  }
0x122: {  	v42 =	vadd.f32 v43, v42;
	v43 =	vmul.f32 v48, v25;
	v44 =	vld [tilespmem:s21+$0x6000]  }
0x123: {  	v48 =	vld [tilespmem:s20+$0x3A00];
	v41 =	vadd.f32 v41, v40;
	v46 =	vmul.f32 v46, v15  }
0x124: {  	v42 =	vadd.f32 v43, v42;
	v43 =	vmul.f32 v47, v24;
	v50 =	vld [tilespmem:s21+$0x6200]  }
.Ltmp0:
0x125: {  	v40 =	vld [tilespmem:s20+$0x3C00];
	v46 =	vadd.f32 v46, v41;
	v45 =	vmul.f32 v45, v17;
	(pc) =	sbr.rel @p0 .LBB2_2-.Ltmp0, $4  }
0x126: {  	v42 =	vadd.f32 v43, v42;
	v47 =	vmul.f32 v49, v23;
	v43 =	vld [tilespmem:s21+$0x6400]  }
0x127: {  	v41 =	vld [tilespmem:s20+$0x3E00];
	v49 =	vadd.f32 v45, v46;
	v51 =	vmul.f32 v44, v18  }
0x128: {  	v45 =	vadd.f32 v47, v42;
	v46 =	vmul.f32 v48, v21;
	v42 =	vld [tilespmem:s21+$0x6600]  }
0x129: {  	s22 =	sshra.s32 s23, $0x2;
	s23 =	sadd.s32 $0x40, s23;
	v44 =	vld [tilespmem:s20+$0x4000];
	v47 =	vadd.f32 v51, v49;
	v48 =	vmul.f32 v50, v19  }
0x12a: {  	v49 =	vld [tilespmem:s22+$0x6800];
	v45 =	vadd.f32 v46, v45;
	v40 =	vmul.f32 v40, v16  }
0x12b: {  	v55 =	vld [tilespmem:s20+$0x4200];
	v47 =	vadd.f32 v48, v47;
	v43 =	vmul.f32 v43, v20  }
0x12c: {  	v56 =	vld [tilespmem:s22+$0x6A00];
	v40 =	vadd.f32 v40, v45;
	v41 =	vmul.f32 v41, v11  }
0x12d: {  	v57 =	vld [tilespmem:s20+$0x4400];
	v43 =	vadd.f32 v43, v47;
	v42 =	vmul.f32 v42, v22  }
0x12e: {  	v58 =	vld [tilespmem:s22+$0x6C00];
	v40 =	vadd.f32 v41, v40  }
0x12f: {  	v60 =	vld [tilespmem:s20+$0x4600];
	v59 =	vmul.f32 v44, v6;
	v38 =	vmul.f32 v49, v38;
	v42 =	vadd.f32 v42, v43  }
0x130: {  	v61 =	vld [tilespmem:s22+$0x6E00];
	v62 =	vmul.f32 v55, v0  }
0x131: {  	v63 =	vld [tilespmem:s20+$0x4800];
	v37 =	vmul.f32 v56, v37;
	v40 =	vadd.f32 v59, v40;
	v38 =	vadd.f32 v38, v39;
	[tilespmem:s21+$0x8480] =	vst v42  }
0x132: {  	v50 =	vmul.f32 v57, v3;
	v49 =	vld [tilespmem:s22+$0x7000]  }
0x133: {  	v36 =	vmul.f32 v58, v36;
	v40 =	vadd.f32 v62, v40;
	v51 =	vld [tilespmem:s20+$0x4A00];
	v37 =	vadd.f32 v37, v38  }
0x134: {  	v52 =	vmul.f32 v60, v1;
	v42 =	vld [tilespmem:s22+$0x7200]  }
0x135: {  	v35 =	vmul.f32 v61, v35;
	v53 =	vld [tilespmem:s20+$0x4C00];
	v40 =	vadd.f32 v50, v40;
	v36 =	vadd.f32 v36, v37  }
0x136: {  	v55 =	vmul.f32 v63, v2;
	v54 =	vld [tilespmem:s22+$0x7400]  }
0x137: {  	v56 =	vld [tilespmem:s20+$0x4E00];
	v40 =	vadd.f32 v52, v40;
	v35 =	vadd.f32 v35, v36;
	v34 =	vmul.f32 v49, v34  }
0x138: {  	v57 =	vld [tilespmem:s22+$0x7600];
	v38 =	vmul.f32 v51, v4  }
0x139: {  	v59 =	vld [tilespmem:s22+$0x7800];
	v33 =	vmul.f32 v42, v33;
	v40 =	vadd.f32 v55, v40;
	v34 =	vadd.f32 v34, v35  }
0x13a: {  	v58 =	vld [tilespmem:s20+$0x5000];
	v37 =	vmul.f32 v53, v5  }
0x13b: {  	v61 =	vld [tilespmem:s22+$0x7A00];
	v32 =	vmul.f32 v54, v32;
	v38 =	vadd.f32 v38, v40;
	v33 =	vadd.f32 v33, v34  }
0x13c: {  	v60 =	vld [tilespmem:s20+$0x5200];
	v36 =	vmul.f32 v56, v7  }
0x13d: {  	v63 =	vld [tilespmem:s22+$0x7C00];
	v31 =	vmul.f32 v57, v31;
	v37 =	vadd.f32 v37, v38;
	v32 =	vadd.f32 v32, v33  }
0x13e: {  	v62 =	vld [tilespmem:s20+$0x5400];
	v30 =	vmul.f32 v59, v30  }
0x13f: {  	v42 =	vld [tilespmem:s22+$0x7E00];
	v35 =	vmul.f32 v58, v8;
	v36 =	vadd.f32 v36, v37;
	v31 =	vadd.f32 v31, v32  }
0x140: {  	v41 =	vld [tilespmem:s20+$0x5600];
	v29 =	vmul.f32 v61, v29  }
0x141: {  	v44 =	vld [tilespmem:s22+$0x8000];
	v34 =	vmul.f32 v60, v9;
	v35 =	vadd.f32 v35, v36;
	v30 =	vadd.f32 v30, v31  }
0x142: {  	v43 =	vld [tilespmem:s20+$0x5800];
	v28 =	vmul.f32 v63, v28  }
0x143: {  	v46 =	vld [tilespmem:s22+$0x3400];
	v33 =	vmul.f32 v62, v10;
	v34 =	vadd.f32 v34, v35;
	v29 =	vadd.f32 v29, v30  }
0x144: {  	v45 =	vld [tilespmem:s20+$0x5A00];
	v27 =	vmul.f32 v42, v27  }
0x145: {  	v48 =	vld [tilespmem:s22+$0x3600];
	v32 =	vmul.f32 v41, v12;
	v33 =	vadd.f32 v33, v34;
	v28 =	vadd.f32 v28, v29  }
0x146: {  	v47 =	vld [tilespmem:s20+$0x5C00];
	v26 =	vmul.f32 v44, v26  }
0x147: {  	v50 =	vld [tilespmem:s22+$0x3800];
	v31 =	vmul.f32 v43, v13;
	v32 =	vadd.f32 v32, v33;
	v27 =	vadd.f32 v27, v28  }
0x148: {  	v49 =	vld [tilespmem:s20+$0x5E00];
	v25 =	vmul.f32 v46, v25  }
0x149: {  	v52 =	vld [tilespmem:s22+$0x3A00];
	v30 =	vmul.f32 v45, v14;
	v31 =	vadd.f32 v31, v32;
	v26 =	vadd.f32 v26, v27  }
0x14a: {  	v51 =	vld [tilespmem:s20+$0x6000];
	v24 =	vmul.f32 v48, v24  }
0x14b: {  	v54 =	vld [tilespmem:s22+$0x3C00];
	v29 =	vmul.f32 v47, v15;
	v30 =	vadd.f32 v30, v31;
	v25 =	vadd.f32 v25, v26  }
0x14c: {  	v53 =	vld [tilespmem:s20+$0x6200];
	v23 =	vmul.f32 v50, v23  }
0x14d: {  	v56 =	vld [tilespmem:s22+$0x3E00];
	v28 =	vmul.f32 v49, v17;
	v29 =	vadd.f32 v29, v30;
	v24 =	vadd.f32 v24, v25  }
0x14e: {  	v55 =	vld [tilespmem:s20+$0x6400];
	v21 =	vmul.f32 v52, v21  }
0x14f: {  	v58 =	vld [tilespmem:s22+$0x4000];
	v27 =	vmul.f32 v51, v18;
	v28 =	vadd.f32 v28, v29;
	v23 =	vadd.f32 v23, v24  }
0x150: {  	v57 =	vld [tilespmem:s20+$0x6600];
	v59 =	vmul.f32 v54, v16  }
0x151: {  	v26 =	vmul.f32 v53, v19;
	v27 =	vadd.f32 v27, v28;
	v21 =	vadd.f32 v21, v23  }
0x152: {  	v60 =	vld [tilespmem:s22+$0x4200];
	v61 =	vmul.f32 v56, v11  }
0x153: {  	v25 =	vmul.f32 v55, v20;
	v26 =	vadd.f32 v26, v27;
	v16 =	vadd.f32 v59, v21  }
0x154: {  	v62 =	vld [tilespmem:s22+$0x4400];
	v63 =	vmul.f32 v58, v6  }
0x155: {  	v24 =	vmul.f32 v57, v22;
	v25 =	vadd.f32 v25, v26;
	v11 =	vadd.f32 v61, v16  }
0x156: {  	v28 =	vld [tilespmem:s22+$0x4600]  }
0x157: {  	v29 =	vmul.f32 v60, v0;
	v24 =	vadd.f32 v24, v25;
	v6 =	vadd.f32 v63, v11  }
0x158: {  	v30 =	vld [tilespmem:s22+$0x4800]  }
0x159: {  	v31 =	vmul.f32 v62, v3;
	[tilespmem:s20+$0x8480] =	vst v24;
	v0 =	vadd.f32 v29, v6  }
0x15a: {  	v32 =	vld [tilespmem:s22+$0x4A00]  }
0x15b: {  	v33 =	vmul.f32 v28, v1;
	v0 =	vadd.f32 v31, v0  }
0x15c: {  	v34 =	vld [tilespmem:s22+$0x4C00]  }
0x15d: {  	v35 =	vmul.f32 v30, v2;
	v0 =	vadd.f32 v33, v0  }
0x15e: {  	v36 =	vld [tilespmem:s22+$0x4E00]  }
0x15f: {  	v37 =	vmul.f32 v32, v4;
	v0 =	vadd.f32 v35, v0  }
0x160: {  	v38 =	vld [tilespmem:s22+$0x5000]  }
0x161: {  	v39 =	vmul.f32 v34, v5;
	v0 =	vadd.f32 v37, v0  }
0x162: {  	v40 =	vld [tilespmem:s22+$0x5200]  }
0x163: {  	v41 =	vmul.f32 v36, v7;
	v0 =	vadd.f32 v39, v0  }
0x164: {  	v42 =	vld [tilespmem:s22+$0x5400]  }
0x165: {  	v43 =	vmul.f32 v38, v8;
	v0 =	vadd.f32 v41, v0  }
0x166: {  	v44 =	vld [tilespmem:s22+$0x5600]  }
0x167: {  	v45 =	vmul.f32 v40, v9;
	v0 =	vadd.f32 v43, v0  }
0x168: {  	v46 =	vld [tilespmem:s22+$0x5800]  }
0x169: {  	v47 =	vmul.f32 v42, v10;
	v0 =	vadd.f32 v45, v0  }
0x16a: {  	v48 =	vld [tilespmem:s22+$0x5A00]  }
0x16b: {  	v49 =	vmul.f32 v44, v12;
	v0 =	vadd.f32 v47, v0  }
0x16c: {  	v50 =	vld [tilespmem:s22+$0x5C00]  }
0x16d: {  	v51 =	vmul.f32 v46, v13;
	v0 =	vadd.f32 v49, v0  }
0x16e: {  	v52 =	vld [tilespmem:s22+$0x5E00]  }
0x16f: {  	v53 =	vmul.f32 v48, v14;
	v0 =	vadd.f32 v51, v0  }
0x170: {  	v54 =	vld [tilespmem:s22+$0x6000]  }
0x171: {  	v55 =	vmul.f32 v50, v15;
	v0 =	vadd.f32 v53, v0  }
0x172: {  	v56 =	vld [tilespmem:s22+$0x6200]  }
0x173: {  	v57 =	vmul.f32 v52, v17;
	v0 =	vadd.f32 v55, v0  }
0x174: {  	v58 =	vld [tilespmem:s22+$0x6400]  }
0x175: {  	v59 =	vmul.f32 v54, v18;
	v0 =	vadd.f32 v57, v0  }
0x176: {  	v60 =	vld [tilespmem:s22+$0x6600]  }
0x177: {  	v61 =	vmul.f32 v56, v19;
	v0 =	vadd.f32 v59, v0;
	_ =	sdelay $0x1  }
0x178: {  	v62 =	vmul.f32 v58, v20;
	v0 =	vadd.f32 v61, v0;
	_ =	sdelay $0x1  }
0x179: {  	v63 =	vmul.f32 v60, v22;
	v0 =	vadd.f32 v62, v0;
	_ =	sdelay $0x1  }
0x17a: {  	s19 =	sadd.s32 $0x1, s19;
	v0 =	vadd.f32 v63, v0  }
0x17b: {  	p0 =	sne.s32 s19, s8  }
.Ltmp1:
0x17c: {  	[tilespmem:s22+$0x8480] =	vst v0;
	(pc) =	sbr.rel @p0 .LBB2_1-.Ltmp1, $4  }
0x17d: {  	[hbm4b:s7+s4] =	stream.linear.scatter [tilespmem:s18], [sflag:$0x2], $0x200, $0x38;
	[tilespmem:$0x8680] =	vst v63  }
0x17e: {  	_ =	swait.ge [sflag:s9], $0x200  }
0x17f: {  	[sflag:s9] =	ssyncset.done $0x0  }
0x180: {  	[sflag:s9] =	ssyncadd.s32 $0xFFFFFE00  }
0x181: {  	_ =	sfence.sel $0x180000  }
0x182: {  	[bflag:$0x0] =	sbarrier.arrive $0xFFFF  }
0x183: {  	_ =	strace $0x90000047  }
0x184: {  	s0 =	stileid.u32;
	[bflag:$0x2] =	sbarrier.arrive $0xFFFF  }
0x185: {  	p0 =	sne.s32 s0, $0x0;
	s0 =	rddreg [dreg:$0x5]  }
0x186: {  	s0 =	sadd.s32 @!p0 $0x100000, s0  }
0x187: {  	[sflag:s0] =	ssyncadd.tile.s32 @!p0 $0x1;
	_ =	shalt  }
.Lfunc_end2:
_tile_overlayer_lowered:
.L_overlay_start_2:
0x188: {  	(tag) =	ssettag $0x2  }
0x189: {  	s0 =	rddreg [dreg:$0x0];
	s2 =	stileid.u32  }
0x18a: {  	s1 =	rddreg [dreg:$0x1];
	p0 =	sne.s32 s2, $0x0  }
0x18b: {  	s3 =	rddreg [dreg:$0x2];
	[bflag:$0x3] =	sbarrier.arrive $0xFFFF;
	s2 =	simm.s32 @!p0 $0x1C02  }
0x18c: {  	[timem:s3], [sflag:s2] =	dma.local @!p0 [hbm:s0], s1  }
0x18d: {  	s0 =	simm.s32 @!p0 $0x2  }
0x18e: {  	_ =	swait.ge @!p0 [sflag:s0], s1  }
0x18f: {  	s1 =	ssub.s32 @!p0 $0x0, s1;
	[sflag:s0] =	ssyncset.done @!p0 $0x0  }
0x190: {  	[sflag:s0] =	ssyncadd.s32 @!p0 s1  }
0x191: {  	[bflag:$0x3] =	sbarrier.arrive $0xFFFF  }
0x192: {  	_ =	shalt  }

</sc_bundles>
